<compile_context>
chip_gen: v7x
topology: tpu7x:2x2x1
jax: 0.10.2.dev20260603
libtpu: 0.0.44.dev20260713+nightly
codegen_flags: <defaults>
</compile_context>

<pallas_src>
import functools

import jax
import jax.numpy as jnp
from jax import lax
from jax.experimental import pallas as pl
from jax.experimental.pallas import tpu as pltpu
from jax.experimental.pallas import tpu_sc as plsc

NUM_ROWS = 1000000
BATCH = 16384
HIST = 200
DIM = 64
NTOT = BATCH * HIST
NW = 32
NHALF = NTOT // 2
B_PER_W = NHALF // NW
CHUNK = 512
NCHUNK = B_PER_W // CHUNK
NBUF = 2
NIDX = 4
NOUTER = NCHUNK // NIDX
SPLIT = 4
SUB = CHUNK // SPLIT

_mesh = plsc.VectorSubcoreMesh(core_axis_name="c", subcore_axis_name="s")


@functools.partial(
    pl.kernel,
    mesh=_mesh,
    out_type=jax.ShapeDtypeStruct((NHALF, DIM), jnp.float32),
    scratch_types=(
        [pltpu.VMEM((CHUNK,), jnp.int32) for _ in range(NIDX)]
        + [pltpu.VMEM((CHUNK, DIM), jnp.float32) for _ in range(NBUF)]
        + [pltpu.SemaphoreType.DMA for _ in range(NIDX)]
        + [pltpu.SemaphoreType.DMA for _ in range(NBUF)]
        + [pltpu.SemaphoreType.DMA for _ in range(NBUF)]
    ),
    compiler_params=pltpu.CompilerParams(
        use_tc_tiling_on_sc=False, skip_device_barrier=True),
)
def _gather(idx_hbm, table_hbm, out_hbm, *scratch):
    idx_v = scratch[0:NIDX]
    rows_v = scratch[NIDX:NIDX + NBUF]
    sem_i = scratch[NIDX + NBUF:2 * NIDX + NBUF]
    sem_g = scratch[2 * NIDX + NBUF:2 * NIDX + 2 * NBUF]
    sem_s = scratch[2 * NIDX + 2 * NBUF:2 * NIDX + 3 * NBUF]
    wid = lax.axis_index("s") * 2 + lax.axis_index("c")
    base = wid * B_PER_W

    def load_idx(q, off):
        pltpu.async_copy(idx_hbm.at[pl.ds(off, CHUNK)], idx_v[q], sem_i[q])

    def wait_idx(q, off):
        pltpu.make_async_copy(
            idx_hbm.at[pl.ds(off, CHUNK)], idx_v[q], sem_i[q]).wait()

    def issue_gather(b, q):
        for k in range(SPLIT):
            pltpu.async_copy(
                table_hbm.at[idx_v[q].at[pl.ds(k * SUB, SUB)]],
                rows_v[b].at[pl.ds(k * SUB, SUB)], sem_g[b])

    def wait_gather(b, q):
        for k in range(SPLIT):
            pltpu.make_async_copy(
                table_hbm.at[idx_v[q].at[pl.ds(k * SUB, SUB)]],
                rows_v[b].at[pl.ds(k * SUB, SUB)], sem_g[b]).wait()

    def store(b, off):
        return rows_v[b], out_hbm.at[pl.ds(off, CHUNK)]

    for q in range(NIDX):
        load_idx(q, base + q * CHUNK)
    for b in range(NBUF):
        wait_idx(b, base + b * CHUNK)
        issue_gather(b, b)

    def body(g, carry):
        for j in range(NIDX):
            b = j % NBUF
            q = j
            i = g * NIDX + j
            off = base + i * CHUNK
            wait_gather(b, q)
            src, dst = store(b, off)
            pltpu.async_copy(src, dst, sem_s[b])

            @pl.when(i + NIDX < NCHUNK)
            def _():
                load_idx(q, off + NIDX * CHUNK)

            @pl.when(i + NBUF < NCHUNK)
            def _():
                src2, dst2 = store(b, off)
                pltpu.make_async_copy(src2, dst2, sem_s[b]).wait()
                off2 = off + NBUF * CHUNK
                q2 = (j + NBUF) % NIDX
                wait_idx(q2, off2)
                issue_gather(b, q2)

        return carry

    lax.fori_loop(0, NOUTER, body, 0)

    for b in range(NBUF):
        off = base + (NCHUNK - NBUF + b) * CHUNK
        src, dst = store(b, off)
        pltpu.make_async_copy(src, dst, sem_s[b]).wait()


def kernel(prompt_ids, weight):
    flat = prompt_ids.reshape(NTOT).astype(jnp.int32)
    out1 = _gather(flat[:NHALF], weight)
    out2 = _gather(flat[NHALF:], weight)
    out = jnp.concatenate([out1, out2], axis=0)
    return out.reshape(BATCH, HIST, DIM)

# --- scband reference (transcript-rebuilt; emitter-appended) ---
"""Pipeline reference for scband-soft-prompt-embedding-89507118449139 (READ-ONLY COPY).

The authoritative reference and input builder live on the scoring server;
editing this copy changes nothing except your own understanding.
"""

import jax, jax.numpy as jnp
import numpy as np

NUM_PROMPTS = 1000000
EMBED_DIM = 64
BATCH = 16384
HIST = 200

def setup_inputs(seed: int = 0) -> dict:
    key = jax.random.key(seed)
    k_idx, k_w = jax.random.split(key)
    prompt_ids = jax.random.randint(k_idx, (BATCH, HIST), 0, NUM_PROMPTS, dtype=jnp.int64 if jax.config.jax_enable_x64 else jnp.int32)
    weight = jax.random.normal(k_w, (NUM_PROMPTS, EMBED_DIM), dtype=jnp.float32)
    return {"prompt_ids": prompt_ids, "weight": weight}

def reference(prompt_ids, weight):
    # nn.Embedding forward: gather rows of the table by index
    return jnp.take(weight, prompt_ids, axis=0)

if __name__ == "__main__":
    import jax
    _d = setup_inputs()
    print(jax.jit(kernel)(*tuple(_d.values())))

</pallas_src>

<mosaic_0001>
#map = affine_map<(d0, d1) -> (0)>
#map1 = affine_map<(d0, d1) -> (0, 0)>
module attributes {stable_mosaic.version = 14 : i64} {
  func.func @_gather(%arg0: i32, %arg1: i32, %arg2: memref<1638400xi32, #tpu.memory_space<hbm>>, %arg3: memref<1000000x64xf32, #tpu.memory_space<hbm>>, %arg4: memref<1638400x64xf32, #tpu.memory_space<hbm>>, %arg5: memref<512xi32, #tpu.memory_space<vmem>>, %arg6: memref<512xi32, #tpu.memory_space<vmem>>, %arg7: memref<512xi32, #tpu.memory_space<vmem>>, %arg8: memref<512xi32, #tpu.memory_space<vmem>>, %arg9: memref<512x64xf32, #tpu.memory_space<vmem>>, %arg10: memref<512x64xf32, #tpu.memory_space<vmem>>, %arg11: memref<!tpu.dma_semaphore, #tpu.memory_space<semaphore_mem>>, %arg12: memref<!tpu.dma_semaphore, #tpu.memory_space<semaphore_mem>>, %arg13: memref<!tpu.dma_semaphore, #tpu.memory_space<semaphore_mem>>, %arg14: memref<!tpu.dma_semaphore, #tpu.memory_space<semaphore_mem>>, %arg15: memref<!tpu.dma_semaphore, #tpu.memory_space<semaphore_mem>>, %arg16: memref<!tpu.dma_semaphore, #tpu.memory_space<semaphore_mem>>, %arg17: memref<!tpu.dma_semaphore, #tpu.memory_space<semaphore_mem>>, %arg18: memref<!tpu.dma_semaphore, #tpu.memory_space<semaphore_mem>>) attributes {dimension_semantics = [#tpu.dimension_semantics<core_parallel>, #tpu.dimension_semantics<subcore_parallel>], iteration_bounds = array<i64: 2, 16>, scalar_prefetch = 0 : i64, scratch_operands = 14 : i64, tpu.core_type = #tpu.core_type<sc_vector_subcore>, window_params = [{transform_indices = #map}, {transform_indices = #map1}, {transform_indices = #map1}]} {
    %mul3A = arith.constant 2 : i32
    %mul3A_0 = arith.muli %arg1, %mul3A : i32
    %add3A = arith.addi %mul3A_0, %arg0 : i32
    %mul3A_1 = arith.constant 51200 : i32
    %mul3A_2 = arith.muli %add3A, %mul3A_1 : i32
    %add3A_3 = arith.constant 0 : i32
    %add3A_4 = arith.addi %mul3A_2, %add3A_3 : i32
    %dma_start3A = tpu.memref_slice %arg2[%add3A_4] : memref<1638400xi32, #tpu.memory_space<hbm>> -> memref<512xi32, #tpu.memory_space<hbm>>
    %dma_start3A_5 = tpu.memref_slice %arg2[%add3A_4] : memref<1638400xi32, #tpu.memory_space<hbm>> -> memref<512xi32, #tpu.memory_space<hbm>>
    tpu.enqueue_dma source(%dma_start3A_5 : memref<512xi32, #tpu.memory_space<hbm>>) target(%arg5 : memref<512xi32, #tpu.memory_space<vmem>>) target_semaphore(%arg11 : memref<!tpu.dma_semaphore, #tpu.memory_space<semaphore_mem>>)
    %add3A_6 = arith.constant 512 : i32
    %add3A_7 = arith.addi %mul3A_2, %add3A_6 : i32
    %dma_start3A_8 = tpu.memref_slice %arg2[%add3A_7] : memref<1638400xi32, #tpu.memory_space<hbm>> -> memref<512xi32, #tpu.memory_space<hbm>>
    %dma_start3A_9 = tpu.memref_slice %arg2[%add3A_7] : memref<1638400xi32, #tpu.memory_space<hbm>> -> memref<512xi32, #tpu.memory_space<hbm>>
    tpu.enqueue_dma source(%dma_start3A_9 : memref<512xi32, #tpu.memory_space<hbm>>) target(%arg6 : memref<512xi32, #tpu.memory_space<vmem>>) target_semaphore(%arg12 : memref<!tpu.dma_semaphore, #tpu.memory_space<semaphore_mem>>)
    %add3A_10 = arith.constant 1024 : i32
    %add3A_11 = arith.addi %mul3A_2, %add3A_10 : i32
    %dma_start3A_12 = tpu.memref_slice %arg2[%add3A_11] : memref<1638400xi32, #tpu.memory_space<hbm>> -> memref<512xi32, #tpu.memory_space<hbm>>
    %dma_start3A_13 = tpu.memref_slice %arg2[%add3A_11] : memref<1638400xi32, #tpu.memory_space<hbm>> -> memref<512xi32, #tpu.memory_space<hbm>>
    tpu.enqueue_dma source(%dma_start3A_13 : memref<512xi32, #tpu.memory_space<hbm>>) target(%arg7 : memref<512xi32, #tpu.memory_space<vmem>>) target_semaphore(%arg13 : memref<!tpu.dma_semaphore, #tpu.memory_space<semaphore_mem>>)
    %add3A_14 = arith.constant 1536 : i32
    %add3A_15 = arith.addi %mul3A_2, %add3A_14 : i32
    %dma_start3A_16 = tpu.memref_slice %arg2[%add3A_15] : memref<1638400xi32, #tpu.memory_space<hbm>> -> memref<512xi32, #tpu.memory_space<hbm>>
    %dma_start3A_17 = tpu.memref_slice %arg2[%add3A_15] : memref<1638400xi32, #tpu.memory_space<hbm>> -> memref<512xi32, #tpu.memory_space<hbm>>
    tpu.enqueue_dma source(%dma_start3A_17 : memref<512xi32, #tpu.memory_space<hbm>>) target(%arg8 : memref<512xi32, #tpu.memory_space<vmem>>) target_semaphore(%arg14 : memref<!tpu.dma_semaphore, #tpu.memory_space<semaphore_mem>>)
    %add3A_18 = arith.constant 0 : i32
    %add3A_19 = arith.addi %mul3A_2, %add3A_18 : i32
    %dma_wait3A = tpu.memref_slice %arg2[%add3A_19] : memref<1638400xi32, #tpu.memory_space<hbm>> -> memref<512xi32, #tpu.memory_space<hbm>>
    %dma_wait3A_20 = tpu.memref_slice %arg2[%add3A_19] : memref<1638400xi32, #tpu.memory_space<hbm>> -> memref<512xi32, #tpu.memory_space<hbm>>
    tpu.wait_dma2 semaphore(%arg11 : memref<!tpu.dma_semaphore, #tpu.memory_space<semaphore_mem>>) src(%dma_wait3A_20 : memref<512xi32, #tpu.memory_space<hbm>>) dst(%arg5 : memref<512xi32, #tpu.memory_space<vmem>>)
    %dma_start3A_21 = arith.constant 0 : i32
    %dma_start3A_22 = arith.constant 0 : i32
    %dma_start3A_23 = tpu.memref_slice %arg9[%dma_start3A_21, %dma_start3A_22] : memref<512x64xf32, #tpu.memory_space<vmem>> -> memref<128x64xf32, #tpu.memory_space<vmem>>
    %dma_start3A_24 = arith.constant 0 : i32
    %dma_start3A_25 = tpu.memref_slice %arg5[%dma_start3A_24] : memref<512xi32, #tpu.memory_space<vmem>> -> memref<128xi32, #tpu.memory_space<vmem>>
    %dma_start3A_26 = arith.constant 0 : i32
    %dma_start3A_27 = arith.constant 0 : i32
    %dma_start3A_28 = tpu.memref_slice %arg3[%dma_start3A_26, %dma_start3A_27] : memref<1000000x64xf32, #tpu.memory_space<hbm>> -> memref<1000000x64xf32, #tpu.memory_space<hbm>>
    tpu.enqueue_indirect_dma source(%dma_start3A_28 : memref<1000000x64xf32, #tpu.memory_space<hbm>>) target(%dma_start3A_23 : memref<128x64xf32, #tpu.memory_space<vmem>>) offsets(%dma_start3A_25 : memref<128xi32, #tpu.memory_space<vmem>>) semaphore(%arg15 : memref<!tpu.dma_semaphore, #tpu.memory_space<semaphore_mem>>)
    %dma_start3A_29 = arith.constant 128 : i32
    %dma_start3A_30 = arith.constant 0 : i32
    %dma_start3A_31 = tpu.memref_slice %arg9[%dma_start3A_29, %dma_start3A_30] : memref<512x64xf32, #tpu.memory_space<vmem>> -> memref<128x64xf32, #tpu.memory_space<vmem>>
    %dma_start3A_32 = arith.constant 128 : i32
    %dma_start3A_33 = tpu.memref_slice %arg5[%dma_start3A_32] : memref<512xi32, #tpu.memory_space<vmem>> -> memref<128xi32, #tpu.memory_space<vmem>>
    %dma_start3A_34 = arith.constant 0 : i32
    %dma_start3A_35 = arith.constant 0 : i32
    %dma_start3A_36 = tpu.memref_slice %arg3[%dma_start3A_34, %dma_start3A_35] : memref<1000000x64xf32, #tpu.memory_space<hbm>> -> memref<1000000x64xf32, #tpu.memory_space<hbm>>
    tpu.enqueue_indirect_dma source(%dma_start3A_36 : memref<1000000x64xf32, #tpu.memory_space<hbm>>) target(%dma_start3A_31 : memref<128x64xf32, #tpu.memory_space<vmem>>) offsets(%dma_start3A_33 : memref<128xi32, #tpu.memory_space<vmem>>) semaphore(%arg15 : memref<!tpu.dma_semaphore, #tpu.memory_space<semaphore_mem>>)
    %dma_start3A_37 = arith.constant 256 : i32
    %dma_start3A_38 = arith.constant 0 : i32
    %dma_start3A_39 = tpu.memref_slice %arg9[%dma_start3A_37, %dma_start3A_38] : memref<512x64xf32, #tpu.memory_space<vmem>> -> memref<128x64xf32, #tpu.memory_space<vmem>>
    %dma_start3A_40 = arith.constant 256 : i32
    %dma_start3A_41 = tpu.memref_slice %arg5[%dma_start3A_40] : memref<512xi32, #tpu.memory_space<vmem>> -> memref<128xi32, #tpu.memory_space<vmem>>
    %dma_start3A_42 = arith.constant 0 : i32
    %dma_start3A_43 = arith.constant 0 : i32
    %dma_start3A_44 = tpu.memref_slice %arg3[%dma_start3A_42, %dma_start3A_43] : memref<1000000x64xf32, #tpu.memory_space<hbm>> -> memref<1000000x64xf32, #tpu.memory_space<hbm>>
    tpu.enqueue_indirect_dma source(%dma_start3A_44 : memref<1000000x64xf32, #tpu.memory_space<hbm>>) target(%dma_start3A_39 : memref<128x64xf32, #tpu.memory_space<vmem>>) offsets(%dma_start3A_41 : memref<128xi32, #tpu.memory_space<vmem>>) semaphore(%arg15 : memref<!tpu.dma_semaphore, #tpu.memory_space<semaphore_mem>>)
    %dma_start3A_45 = arith.constant 384 : i32
    %dma_start3A_46 = arith.constant 0 : i32
    %dma_start3A_47 = tpu.memref_slice %arg9[%dma_start3A_45, %dma_start3A_46] : memref<512x64xf32, #tpu.memory_space<vmem>> -> memref<128x64xf32, #tpu.memory_space<vmem>>
    %dma_start3A_48 = arith.constant 384 : i32
    %dma_start3A_49 = tpu.memref_slice %arg5[%dma_start3A_48] : memref<512xi32, #tpu.memory_space<vmem>> -> memref<128xi32, #tpu.memory_space<vmem>>
    %dma_start3A_50 = arith.constant 0 : i32
    %dma_start3A_51 = arith.constant 0 : i32
    %dma_start3A_52 = tpu.memref_slice %arg3[%dma_start3A_50, %dma_start3A_51] : memref<1000000x64xf32, #tpu.memory_space<hbm>> -> memref<1000000x64xf32, #tpu.memory_space<hbm>>
    tpu.enqueue_indirect_dma source(%dma_start3A_52 : memref<1000000x64xf32, #tpu.memory_space<hbm>>) target(%dma_start3A_47 : memref<128x64xf32, #tpu.memory_space<vmem>>) offsets(%dma_start3A_49 : memref<128xi32, #tpu.memory_space<vmem>>) semaphore(%arg15 : memref<!tpu.dma_semaphore, #tpu.memory_space<semaphore_mem>>)
    %add3A_53 = arith.constant 512 : i32
    %add3A_54 = arith.addi %mul3A_2, %add3A_53 : i32
    %dma_wait3A_55 = tpu.memref_slice %arg2[%add3A_54] : memref<1638400xi32, #tpu.memory_space<hbm>> -> memref<512xi32, #tpu.memory_space<hbm>>
    %dma_wait3A_56 = tpu.memref_slice %arg2[%add3A_54] : memref<1638400xi32, #tpu.memory_space<hbm>> -> memref<512xi32, #tpu.memory_space<hbm>>
    tpu.wait_dma2 semaphore(%arg12 : memref<!tpu.dma_semaphore, #tpu.memory_space<semaphore_mem>>) src(%dma_wait3A_56 : memref<512xi32, #tpu.memory_space<hbm>>) dst(%arg6 : memref<512xi32, #tpu.memory_space<vmem>>)
    %dma_start3A_57 = arith.constant 0 : i32
    %dma_start3A_58 = arith.constant 0 : i32
    %dma_start3A_59 = tpu.memref_slice %arg10[%dma_start3A_57, %dma_start3A_58] : memref<512x64xf32, #tpu.memory_space<vmem>> -> memref<128x64xf32, #tpu.memory_space<vmem>>
    %dma_start3A_60 = arith.constant 0 : i32
    %dma_start3A_61 = tpu.memref_slice %arg6[%dma_start3A_60] : memref<512xi32, #tpu.memory_space<vmem>> -> memref<128xi32, #tpu.memory_space<vmem>>
    %dma_start3A_62 = arith.constant 0 : i32
    %dma_start3A_63 = arith.constant 0 : i32
    %dma_start3A_64 = tpu.memref_slice %arg3[%dma_start3A_62, %dma_start3A_63] : memref<1000000x64xf32, #tpu.memory_space<hbm>> -> memref<1000000x64xf32, #tpu.memory_space<hbm>>
    tpu.enqueue_indirect_dma source(%dma_start3A_64 : memref<1000000x64xf32, #tpu.memory_space<hbm>>) target(%dma_start3A_59 : memref<128x64xf32, #tpu.memory_space<vmem>>) offsets(%dma_start3A_61 : memref<128xi32, #tpu.memory_space<vmem>>) semaphore(%arg16 : memref<!tpu.dma_semaphore, #tpu.memory_space<semaphore_mem>>)
    %dma_start3A_65 = arith.constant 128 : i32
    %dma_start3A_66 = arith.constant 0 : i32
    %dma_start3A_67 = tpu.memref_slice %arg10[%dma_start3A_65, %dma_start3A_66] : memref<512x64xf32, #tpu.memory_space<vmem>> -> memref<128x64xf32, #tpu.memory_space<vmem>>
    %dma_start3A_68 = arith.constant 128 : i32
    %dma_start3A_69 = tpu.memref_slice %arg6[%dma_start3A_68] : memref<512xi32, #tpu.memory_space<vmem>> -> memref<128xi32, #tpu.memory_space<vmem>>
    %dma_start3A_70 = arith.constant 0 : i32
    %dma_start3A_71 = arith.constant 0 : i32
    %dma_start3A_72 = tpu.memref_slice %arg3[%dma_start3A_70, %dma_start3A_71] : memref<1000000x64xf32, #tpu.memory_space<hbm>> -> memref<1000000x64xf32, #tpu.memory_space<hbm>>
    tpu.enqueue_indirect_dma source(%dma_start3A_72 : memref<1000000x64xf32, #tpu.memory_space<hbm>>) target(%dma_start3A_67 : memref<128x64xf32, #tpu.memory_space<vmem>>) offsets(%dma_start3A_69 : memref<128xi32, #tpu.memory_space<vmem>>) semaphore(%arg16 : memref<!tpu.dma_semaphore, #tpu.memory_space<semaphore_mem>>)
    %dma_start3A_73 = arith.constant 256 : i32
    %dma_start3A_74 = arith.constant 0 : i32
    %dma_start3A_75 = tpu.memref_slice %arg10[%dma_start3A_73, %dma_start3A_74] : memref<512x64xf32, #tpu.memory_space<vmem>> -> memref<128x64xf32, #tpu.memory_space<vmem>>
    %dma_start3A_76 = arith.constant 256 : i32
    %dma_start3A_77 = tpu.memref_slice %arg6[%dma_start3A_76] : memref<512xi32, #tpu.memory_space<vmem>> -> memref<128xi32, #tpu.memory_space<vmem>>
    %dma_start3A_78 = arith.constant 0 : i32
    %dma_start3A_79 = arith.constant 0 : i32
    %dma_start3A_80 = tpu.memref_slice %arg3[%dma_start3A_78, %dma_start3A_79] : memref<1000000x64xf32, #tpu.memory_space<hbm>> -> memref<1000000x64xf32, #tpu.memory_space<hbm>>
    tpu.enqueue_indirect_dma source(%dma_start3A_80 : memref<1000000x64xf32, #tpu.memory_space<hbm>>) target(%dma_start3A_75 : memref<128x64xf32, #tpu.memory_space<vmem>>) offsets(%dma_start3A_77 : memref<128xi32, #tpu.memory_space<vmem>>) semaphore(%arg16 : memref<!tpu.dma_semaphore, #tpu.memory_space<semaphore_mem>>)
    %dma_start3A_81 = arith.constant 384 : i32
    %dma_start3A_82 = arith.constant 0 : i32
    %dma_start3A_83 = tpu.memref_slice %arg10[%dma_start3A_81, %dma_start3A_82] : memref<512x64xf32, #tpu.memory_space<vmem>> -> memref<128x64xf32, #tpu.memory_space<vmem>>
    %dma_start3A_84 = arith.constant 384 : i32
    %dma_start3A_85 = tpu.memref_slice %arg6[%dma_start3A_84] : memref<512xi32, #tpu.memory_space<vmem>> -> memref<128xi32, #tpu.memory_space<vmem>>
    %dma_start3A_86 = arith.constant 0 : i32
    %dma_start3A_87 = arith.constant 0 : i32
    %dma_start3A_88 = tpu.memref_slice %arg3[%dma_start3A_86, %dma_start3A_87] : memref<1000000x64xf32, #tpu.memory_space<hbm>> -> memref<1000000x64xf32, #tpu.memory_space<hbm>>
    tpu.enqueue_indirect_dma source(%dma_start3A_88 : memref<1000000x64xf32, #tpu.memory_space<hbm>>) target(%dma_start3A_83 : memref<128x64xf32, #tpu.memory_space<vmem>>) offsets(%dma_start3A_85 : memref<128xi32, #tpu.memory_space<vmem>>) semaphore(%arg16 : memref<!tpu.dma_semaphore, #tpu.memory_space<semaphore_mem>>)
    %scan3A = arith.constant 0 : i32
    %scan3A_89 = arith.constant 0 : i32
    %scan3A_90 = arith.constant 25 : i32
    %scan3A_91 = arith.addi %scan3A_89, %scan3A_90 : i32
    %scan3A_92 = arith.constant 1 : i32
    scf.for %scan3A_106 = %scan3A_89 to %scan3A_91 step %scan3A_92  : i32 {
      %mul3A_107 = arith.constant 4 : i32
      %mul3A_108 = arith.muli %scan3A_106, %mul3A_107 : i32
      %add3A_109 = arith.constant 0 : i32
      %add3A_110 = arith.addi %mul3A_108, %add3A_109 : i32
      %mul3A_111 = arith.constant 512 : i32
      %mul3A_112 = arith.muli %add3A_110, %mul3A_111 : i32
      %add3A_113 = arith.addi %mul3A_2, %mul3A_112 : i32
      %dma_wait3A_114 = arith.constant 0 : i32
      %dma_wait3A_115 = arith.constant 0 : i32
      %dma_wait3A_116 = tpu.memref_slice %arg9[%dma_wait3A_114, %dma_wait3A_115] : memref<512x64xf32, #tpu.memory_space<vmem>> -> memref<128x64xf32, #tpu.memory_space<vmem>>
      %dma_wait3A_117 = arith.constant 0 : i32
      %dma_wait3A_118 = tpu.memref_slice %arg5[%dma_wait3A_117] : memref<512xi32, #tpu.memory_space<vmem>> -> memref<128xi32, #tpu.memory_space<vmem>>
      %dma_wait3A_119 = arith.constant 0 : i32
      %dma_wait3A_120 = arith.constant 0 : i32
      %dma_wait3A_121 = tpu.memref_slice %arg3[%dma_wait3A_119, %dma_wait3A_120] : memref<1000000x64xf32, #tpu.memory_space<hbm>> -> memref<1000000x64xf32, #tpu.memory_space<hbm>>
      tpu.wait_indirect_dma semaphore(%arg15 : memref<!tpu.dma_semaphore, #tpu.memory_space<semaphore_mem>>) src(%dma_wait3A_121 : memref<1000000x64xf32, #tpu.memory_space<hbm>>) dst(%dma_wait3A_116 : memref<128x64xf32, #tpu.memory_space<vmem>>)
      %dma_wait3A_122 = arith.constant 128 : i32
      %dma_wait3A_123 = arith.constant 0 : i32
      %dma_wait3A_124 = tpu.memref_slice %arg9[%dma_wait3A_122, %dma_wait3A_123] : memref<512x64xf32, #tpu.memory_space<vmem>> -> memref<128x64xf32, #tpu.memory_space<vmem>>
      %dma_wait3A_125 = arith.constant 128 : i32
      %dma_wait3A_126 = tpu.memref_slice %arg5[%dma_wait3A_125] : memref<512xi32, #tpu.memory_space<vmem>> -> memref<128xi32, #tpu.memory_space<vmem>>
      %dma_wait3A_127 = arith.constant 0 : i32
      %dma_wait3A_128 = arith.constant 0 : i32
      %dma_wait3A_129 = tpu.memref_slice %arg3[%dma_wait3A_127, %dma_wait3A_128] : memref<1000000x64xf32, #tpu.memory_space<hbm>> -> memref<1000000x64xf32, #tpu.memory_space<hbm>>
      tpu.wait_indirect_dma semaphore(%arg15 : memref<!tpu.dma_semaphore, #tpu.memory_space<semaphore_mem>>) src(%dma_wait3A_129 : memref<1000000x64xf32, #tpu.memory_space<hbm>>) dst(%dma_wait3A_124 : memref<128x64xf32, #tpu.memory_space<vmem>>)
      %dma_wait3A_130 = arith.constant 256 : i32
      %dma_wait3A_131 = arith.constant 0 : i32
      %dma_wait3A_132 = tpu.memref_slice %arg9[%dma_wait3A_130, %dma_wait3A_131] : memref<512x64xf32, #tpu.memory_space<vmem>> -> memref<128x64xf32, #tpu.memory_space<vmem>>
      %dma_wait3A_133 = arith.constant 256 : i32
      %dma_wait3A_134 = tpu.memref_slice %arg5[%dma_wait3A_133] : memref<512xi32, #tpu.memory_space<vmem>> -> memref<128xi32, #tpu.memory_space<vmem>>
      %dma_wait3A_135 = arith.constant 0 : i32
      %dma_wait3A_136 = arith.constant 0 : i32
      %dma_wait3A_137 = tpu.memref_slice %arg3[%dma_wait3A_135, %dma_wait3A_136] : memref<1000000x64xf32, #tpu.memory_space<hbm>> -> memref<1000000x64xf32, #tpu.memory_space<hbm>>
      tpu.wait_indirect_dma semaphore(%arg15 : memref<!tpu.dma_semaphore, #tpu.memory_space<semaphore_mem>>) src(%dma_wait3A_137 : memref<1000000x64xf32, #tpu.memory_space<hbm>>) dst(%dma_wait3A_132 : memref<128x64xf32, #tpu.memory_space<vmem>>)
      %dma_wait3A_138 = arith.constant 384 : i32
      %dma_wait3A_139 = arith.constant 0 : i32
      %dma_wait3A_140 = tpu.memref_slice %arg9[%dma_wait3A_138, %dma_wait3A_139] : memref<512x64xf32, #tpu.memory_space<vmem>> -> memref<128x64xf32, #tpu.memory_space<vmem>>
      %dma_wait3A_141 = arith.constant 384 : i32
      %dma_wait3A_142 = tpu.memref_slice %arg5[%dma_wait3A_141] : memref<512xi32, #tpu.memory_space<vmem>> -> memref<128xi32, #tpu.memory_space<vmem>>
      %dma_wait3A_143 = arith.constant 0 : i32
      %dma_wait3A_144 = arith.constant 0 : i32
      %dma_wait3A_145 = tpu.memref_slice %arg3[%dma_wait3A_143, %dma_wait3A_144] : memref<1000000x64xf32, #tpu.memory_space<hbm>> -> memref<1000000x64xf32, #tpu.memory_space<hbm>>
      tpu.wait_indirect_dma semaphore(%arg15 : memref<!tpu.dma_semaphore, #tpu.memory_space<semaphore_mem>>) src(%dma_wait3A_145 : memref<1000000x64xf32, #tpu.memory_space<hbm>>) dst(%dma_wait3A_140 : memref<128x64xf32, #tpu.memory_space<vmem>>)
      %dma_start3A_146 = arith.constant 0 : i32
      %dma_start3A_147 = tpu.memref_slice %arg4[%add3A_113, %dma_start3A_146] : memref<1638400x64xf32, #tpu.memory_space<hbm>> -> memref<512x64xf32, #tpu.memory_space<hbm>>
      %dma_start3A_148 = arith.constant 0 : i32
      %dma_start3A_149 = tpu.memref_slice %arg4[%add3A_113, %dma_start3A_148] : memref<1638400x64xf32, #tpu.memory_space<hbm>> -> memref<512x64xf32, #tpu.memory_space<hbm>>
      tpu.enqueue_dma source(%arg9 : memref<512x64xf32, #tpu.memory_space<vmem>>) target(%dma_start3A_149 : memref<512x64xf32, #tpu.memory_space<hbm>>) target_semaphore(%arg17 : memref<!tpu.dma_semaphore, #tpu.memory_space<semaphore_mem>>)
      %add3A_150 = arith.constant 4 : i32
      %add3A_151 = arith.addi %add3A_110, %add3A_150 : i32
      %lt3A = arith.constant 100 : i32
      %lt3A_152 = arith.cmpi slt, %add3A_151, %lt3A : i32
      %convert_element_type3A = arith.extui %lt3A_152 : i1 to i32
      %cond3A = arith.constant 0 : i32
      %cond3A_153 = arith.cmpi ne, %convert_element_type3A, %cond3A : i32
      scf.if %cond3A_153 {
        %add3A_332 = arith.constant 2048 : i32
        %add3A_333 = arith.addi %add3A_113, %add3A_332 : i32
        %dma_start3A_334 = tpu.memref_slice %arg2[%add3A_333] : memref<1638400xi32, #tpu.memory_space<hbm>> -> memref<512xi32, #tpu.memory_space<hbm>>
        %dma_start3A_335 = tpu.memref_slice %arg2[%add3A_333] : memref<1638400xi32, #tpu.memory_space<hbm>> -> memref<512xi32, #tpu.memory_space<hbm>>
        tpu.enqueue_dma source(%dma_start3A_335 : memref<512xi32, #tpu.memory_space<hbm>>) target(%arg5 : memref<512xi32, #tpu.memory_space<vmem>>) target_semaphore(%arg11 : memref<!tpu.dma_semaphore, #tpu.memory_space<semaphore_mem>>)
      } else {
      }
      %add3A_154 = arith.constant 2 : i32
      %add3A_155 = arith.addi %add3A_110, %add3A_154 : i32
      %lt3A_156 = arith.constant 100 : i32
      %lt3A_157 = arith.cmpi slt, %add3A_155, %lt3A_156 : i32
      %convert_element_type3A_158 = arith.extui %lt3A_157 : i1 to i32
      %cond3A_159 = arith.constant 0 : i32
      %cond3A_160 = arith.cmpi ne, %convert_element_type3A_158, %cond3A_159 : i32
      scf.if %cond3A_160 {
        %dma_wait3A_332 = arith.constant 0 : i32
        %dma_wait3A_333 = tpu.memref_slice %arg4[%add3A_113, %dma_wait3A_332] : memref<1638400x64xf32, #tpu.memory_space<hbm>> -> memref<512x64xf32, #tpu.memory_space<hbm>>
        %dma_wait3A_334 = arith.constant 0 : i32
        %dma_wait3A_335 = tpu.memref_slice %arg4[%add3A_113, %dma_wait3A_334] : memref<1638400x64xf32, #tpu.memory_space<hbm>> -> memref<512x64xf32, #tpu.memory_space<hbm>>
        tpu.wait_dma2 semaphore(%arg17 : memref<!tpu.dma_semaphore, #tpu.memory_space<semaphore_mem>>) src(%arg9 : memref<512x64xf32, #tpu.memory_space<vmem>>) dst(%dma_wait3A_335 : memref<512x64xf32, #tpu.memory_space<hbm>>)
        %add3A_336 = arith.constant 1024 : i32
        %add3A_337 = arith.addi %add3A_113, %add3A_336 : i32
        %dma_wait3A_338 = tpu.memref_slice %arg2[%add3A_337] : memref<1638400xi32, #tpu.memory_space<hbm>> -> memref<512xi32, #tpu.memory_space<hbm>>
        %dma_wait3A_339 = tpu.memref_slice %arg2[%add3A_337] : memref<1638400xi32, #tpu.memory_space<hbm>> -> memref<512xi32, #tpu.memory_space<hbm>>
        tpu.wait_dma2 semaphore(%arg13 : memref<!tpu.dma_semaphore, #tpu.memory_space<semaphore_mem>>) src(%dma_wait3A_339 : memref<512xi32, #tpu.memory_space<hbm>>) dst(%arg7 : memref<512xi32, #tpu.memory_space<vmem>>)
        %dma_start3A_340 = arith.constant 0 : i32
        %dma_start3A_341 = arith.constant 0 : i32
        %dma_start3A_342 = tpu.memref_slice %arg9[%dma_start3A_340, %dma_start3A_341] : memref<512x64xf32, #tpu.memory_space<vmem>> -> memref<128x64xf32, #tpu.memory_space<vmem>>
        %dma_start3A_343 = arith.constant 0 : i32
        %dma_start3A_344 = tpu.memref_slice %arg7[%dma_start3A_343] : memref<512xi32, #tpu.memory_space<vmem>> -> memref<128xi32, #tpu.memory_space<vmem>>
        %dma_start3A_345 = arith.constant 0 : i32
        %dma_start3A_346 = arith.constant 0 : i32
        %dma_start3A_347 = tpu.memref_slice %arg3[%dma_start3A_345, %dma_start3A_346] : memref<1000000x64xf32, #tpu.memory_space<hbm>> -> memref<1000000x64xf32, #tpu.memory_space<hbm>>
        tpu.enqueue_indirect_dma source(%dma_start3A_347 : memref<1000000x64xf32, #tpu.memory_space<hbm>>) target(%dma_start3A_342 : memref<128x64xf32, #tpu.memory_space<vmem>>) offsets(%dma_start3A_344 : memref<128xi32, #tpu.memory_space<vmem>>) semaphore(%arg15 : memref<!tpu.dma_semaphore, #tpu.memory_space<semaphore_mem>>)
        %dma_start3A_348 = arith.constant 128 : i32
        %dma_start3A_349 = arith.constant 0 : i32
        %dma_start3A_350 = tpu.memref_slice %arg9[%dma_start3A_348, %dma_start3A_349] : memref<512x64xf32, #tpu.memory_space<vmem>> -> memref<128x64xf32, #tpu.memory_space<vmem>>
        %dma_start3A_351 = arith.constant 128 : i32
        %dma_start3A_352 = tpu.memref_slice %arg7[%dma_start3A_351] : memref<512xi32, #tpu.memory_space<vmem>> -> memref<128xi32, #tpu.memory_space<vmem>>
        %dma_start3A_353 = arith.constant 0 : i32
        %dma_start3A_354 = arith.constant 0 : i32
        %dma_start3A_355 = tpu.memref_slice %arg3[%dma_start3A_353, %dma_start3A_354] : memref<1000000x64xf32, #tpu.memory_space<hbm>> -> memref<1000000x64xf32, #tpu.memory_space<hbm>>
        tpu.enqueue_indirect_dma source(%dma_start3A_355 : memref<1000000x64xf32, #tpu.memory_space<hbm>>) target(%dma_start3A_350 : memref<128x64xf32, #tpu.memory_space<vmem>>) offsets(%dma_start3A_352 : memref<128xi32, #tpu.memory_space<vmem>>) semaphore(%arg15 : memref<!tpu.dma_semaphore, #tpu.memory_space<semaphore_mem>>)
        %dma_start3A_356 = arith.constant 256 : i32
        %dma_start3A_357 = arith.constant 0 : i32
        %dma_start3A_358 = tpu.memref_slice %arg9[%dma_start3A_356, %dma_start3A_357] : memref<512x64xf32, #tpu.memory_space<vmem>> -> memref<128x64xf32, #tpu.memory_space<vmem>>
        %dma_start3A_359 = arith.constant 256 : i32
        %dma_start3A_360 = tpu.memref_slice %arg7[%dma_start3A_359] : memref<512xi32, #tpu.memory_space<vmem>> -> memref<128xi32, #tpu.memory_space<vmem>>
        %dma_start3A_361 = arith.constant 0 : i32
        %dma_start3A_362 = arith.constant 0 : i32
        %dma_start3A_363 = tpu.memref_slice %arg3[%dma_start3A_361, %dma_start3A_362] : memref<1000000x64xf32, #tpu.memory_space<hbm>> -> memref<1000000x64xf32, #tpu.memory_space<hbm>>
        tpu.enqueue_indirect_dma source(%dma_start3A_363 : memref<1000000x64xf32, #tpu.memory_space<hbm>>) target(%dma_start3A_358 : memref<128x64xf32, #tpu.memory_space<vmem>>) offsets(%dma_start3A_360 : memref<128xi32, #tpu.memory_space<vmem>>) semaphore(%arg15 : memref<!tpu.dma_semaphore, #tpu.memory_space<semaphore_mem>>)
        %dma_start3A_364 = arith.constant 384 : i32
        %dma_start3A_365 = arith.constant 0 : i32
        %dma_start3A_366 = tpu.memref_slice %arg9[%dma_start3A_364, %dma_start3A_365] : memref<512x64xf32, #tpu.memory_space<vmem>> -> memref<128x64xf32, #tpu.memory_space<vmem>>
        %dma_start3A_367 = arith.constant 384 : i32
        %dma_start3A_368 = tpu.memref_slice %arg7[%dma_start3A_367] : memref<512xi32, #tpu.memory_space<vmem>> -> memref<128xi32, #tpu.memory_space<vmem>>
        %dma_start3A_369 = arith.constant 0 : i32
        %dma_start3A_370 = arith.constant 0 : i32
        %dma_start3A_371 = tpu.memref_slice %arg3[%dma_start3A_369, %dma_start3A_370] : memref<1000000x64xf32, #tpu.memory_space<hbm>> -> memref<1000000x64xf32, #tpu.memory_space<hbm>>
        tpu.enqueue_indirect_dma source(%dma_start3A_371 : memref<1000000x64xf32, #tpu.memory_space<hbm>>) target(%dma_start3A_366 : memref<128x64xf32, #tpu.memory_space<vmem>>) offsets(%dma_start3A_368 : memref<128xi32, #tpu.memory_space<vmem>>) semaphore(%arg15 : memref<!tpu.dma_semaphore, #tpu.memory_space<semaphore_mem>>)
      } else {
      }
      %mul3A_161 = arith.constant 4 : i32
      %mul3A_162 = arith.muli %scan3A_106, %mul3A_161 : i32
      %add3A_163 = arith.constant 1 : i32
      %add3A_164 = arith.addi %mul3A_162, %add3A_163 : i32
      %mul3A_165 = arith.constant 512 : i32
      %mul3A_166 = arith.muli %add3A_164, %mul3A_165 : i32
      %add3A_167 = arith.addi %mul3A_2, %mul3A_166 : i32
      %dma_wait3A_168 = arith.constant 0 : i32
      %dma_wait3A_169 = arith.constant 0 : i32
      %dma_wait3A_170 = tpu.memref_slice %arg10[%dma_wait3A_168, %dma_wait3A_169] : memref<512x64xf32, #tpu.memory_space<vmem>> -> memref<128x64xf32, #tpu.memory_space<vmem>>
      %dma_wait3A_171 = arith.constant 0 : i32
      %dma_wait3A_172 = tpu.memref_slice %arg6[%dma_wait3A_171] : memref<512xi32, #tpu.memory_space<vmem>> -> memref<128xi32, #tpu.memory_space<vmem>>
      %dma_wait3A_173 = arith.constant 0 : i32
      %dma_wait3A_174 = arith.constant 0 : i32
      %dma_wait3A_175 = tpu.memref_slice %arg3[%dma_wait3A_173, %dma_wait3A_174] : memref<1000000x64xf32, #tpu.memory_space<hbm>> -> memref<1000000x64xf32, #tpu.memory_space<hbm>>
      tpu.wait_indirect_dma semaphore(%arg16 : memref<!tpu.dma_semaphore, #tpu.memory_space<semaphore_mem>>) src(%dma_wait3A_175 : memref<1000000x64xf32, #tpu.memory_space<hbm>>) dst(%dma_wait3A_170 : memref<128x64xf32, #tpu.memory_space<vmem>>)
      %dma_wait3A_176 = arith.constant 128 : i32
      %dma_wait3A_177 = arith.constant 0 : i32
      %dma_wait3A_178 = tpu.memref_slice %arg10[%dma_wait3A_176, %dma_wait3A_177] : memref<512x64xf32, #tpu.memory_space<vmem>> -> memref<128x64xf32, #tpu.memory_space<vmem>>
      %dma_wait3A_179 = arith.constant 128 : i32
      %dma_wait3A_180 = tpu.memref_slice %arg6[%dma_wait3A_179] : memref<512xi32, #tpu.memory_space<vmem>> -> memref<128xi32, #tpu.memory_space<vmem>>
      %dma_wait3A_181 = arith.constant 0 : i32
      %dma_wait3A_182 = arith.constant 0 : i32
      %dma_wait3A_183 = tpu.memref_slice %arg3[%dma_wait3A_181, %dma_wait3A_182] : memref<1000000x64xf32, #tpu.memory_space<hbm>> -> memref<1000000x64xf32, #tpu.memory_space<hbm>>
      tpu.wait_indirect_dma semaphore(%arg16 : memref<!tpu.dma_semaphore, #tpu.memory_space<semaphore_mem>>) src(%dma_wait3A_183 : memref<1000000x64xf32, #tpu.memory_space<hbm>>) dst(%dma_wait3A_178 : memref<128x64xf32, #tpu.memory_space<vmem>>)
      %dma_wait3A_184 = arith.constant 256 : i32
      %dma_wait3A_185 = arith.constant 0 : i32
      %dma_wait3A_186 = tpu.memref_slice %arg10[%dma_wait3A_184, %dma_wait3A_185] : memref<512x64xf32, #tpu.memory_space<vmem>> -> memref<128x64xf32, #tpu.memory_space<vmem>>
      %dma_wait3A_187 = arith.constant 256 : i32
      %dma_wait3A_188 = tpu.memref_slice %arg6[%dma_wait3A_187] : memref<512xi32, #tpu.memory_space<vmem>> -> memref<128xi32, #tpu.memory_space<vmem>>
      %dma_wait3A_189 = arith.constant 0 : i32
      %dma_wait3A_190 = arith.constant 0 : i32
      %dma_wait3A_191 = tpu.memref_slice %arg3[%dma_wait3A_189, %dma_wait3A_190] : memref<1000000x64xf32, #tpu.memory_space<hbm>> -> memref<1000000x64xf32, #tpu.memory_space<hbm>>
      tpu.wait_indirect_dma semaphore(%arg16 : memref<!tpu.dma_semaphore, #tpu.memory_space<semaphore_mem>>) src(%dma_wait3A_191 : memref<1000000x64xf32, #tpu.memory_space<hbm>>) dst(%dma_wait3A_186 : memref<128x64xf32, #tpu.memory_space<vmem>>)
      %dma_wait3A_192 = arith.constant 384 : i32
      %dma_wait3A_193 = arith.constant 0 : i32
      %dma_wait3A_194 = tpu.memref_slice %arg10[%dma_wait3A_192, %dma_wait3A_193] : memref<512x64xf32, #tpu.memory_space<vmem>> -> memref<128x64xf32, #tpu.memory_space<vmem>>
      %dma_wait3A_195 = arith.constant 384 : i32
      %dma_wait3A_196 = tpu.memref_slice %arg6[%dma_wait3A_195] : memref<512xi32, #tpu.memory_space<vmem>> -> memref<128xi32, #tpu.memory_space<vmem>>
      %dma_wait3A_197 = arith.constant 0 : i32
      %dma_wait3A_198 = arith.constant 0 : i32
      %dma_wait3A_199 = tpu.memref_slice %arg3[%dma_wait3A_197, %dma_wait3A_198] : memref<1000000x64xf32, #tpu.memory_space<hbm>> -> memref<1000000x64xf32, #tpu.memory_space<hbm>>
      tpu.wait_indirect_dma semaphore(%arg16 : memref<!tpu.dma_semaphore, #tpu.memory_space<semaphore_mem>>) src(%dma_wait3A_199 : memref<1000000x64xf32, #tpu.memory_space<hbm>>) dst(%dma_wait3A_194 : memref<128x64xf32, #tpu.memory_space<vmem>>)
      %dma_start3A_200 = arith.constant 0 : i32
      %dma_start3A_201 = tpu.memref_slice %arg4[%add3A_167, %dma_start3A_200] : memref<1638400x64xf32, #tpu.memory_space<hbm>> -> memref<512x64xf32, #tpu.memory_space<hbm>>
      %dma_start3A_202 = arith.constant 0 : i32
      %dma_start3A_203 = tpu.memref_slice %arg4[%add3A_167, %dma_start3A_202] : memref<1638400x64xf32, #tpu.memory_space<hbm>> -> memref<512x64xf32, #tpu.memory_space<hbm>>
      tpu.enqueue_dma source(%arg10 : memref<512x64xf32, #tpu.memory_space<vmem>>) target(%dma_start3A_203 : memref<512x64xf32, #tpu.memory_space<hbm>>) target_semaphore(%arg18 : memref<!tpu.dma_semaphore, #tpu.memory_space<semaphore_mem>>)
      %add3A_204 = arith.constant 4 : i32
      %add3A_205 = arith.addi %add3A_164, %add3A_204 : i32
      %lt3A_206 = arith.constant 100 : i32
      %lt3A_207 = arith.cmpi slt, %add3A_205, %lt3A_206 : i32
      %convert_element_type3A_208 = arith.extui %lt3A_207 : i1 to i32
      %cond3A_209 = arith.constant 0 : i32
      %cond3A_210 = arith.cmpi ne, %convert_element_type3A_208, %cond3A_209 : i32
      scf.if %cond3A_210 {
        %add3A_332 = arith.constant 2048 : i32
        %add3A_333 = arith.addi %add3A_167, %add3A_332 : i32
        %dma_start3A_334 = tpu.memref_slice %arg2[%add3A_333] : memref<1638400xi32, #tpu.memory_space<hbm>> -> memref<512xi32, #tpu.memory_space<hbm>>
        %dma_start3A_335 = tpu.memref_slice %arg2[%add3A_333] : memref<1638400xi32, #tpu.memory_space<hbm>> -> memref<512xi32, #tpu.memory_space<hbm>>
        tpu.enqueue_dma source(%dma_start3A_335 : memref<512xi32, #tpu.memory_space<hbm>>) target(%arg6 : memref<512xi32, #tpu.memory_space<vmem>>) target_semaphore(%arg12 : memref<!tpu.dma_semaphore, #tpu.memory_space<semaphore_mem>>)
      } else {
      }
      %add3A_211 = arith.constant 2 : i32
      %add3A_212 = arith.addi %add3A_164, %add3A_211 : i32
      %lt3A_213 = arith.constant 100 : i32
      %lt3A_214 = arith.cmpi slt, %add3A_212, %lt3A_213 : i32
      %convert_element_type3A_215 = arith.extui %lt3A_214 : i1 to i32
      %cond3A_216 = arith.constant 0 : i32
      %cond3A_217 = arith.cmpi ne, %convert_element_type3A_215, %cond3A_216 : i32
      scf.if %cond3A_217 {
        %dma_wait3A_332 = arith.constant 0 : i32
        %dma_wait3A_333 = tpu.memref_slice %arg4[%add3A_167, %dma_wait3A_332] : memref<1638400x64xf32, #tpu.memory_space<hbm>> -> memref<512x64xf32, #tpu.memory_space<hbm>>
        %dma_wait3A_334 = arith.constant 0 : i32
        %dma_wait3A_335 = tpu.memref_slice %arg4[%add3A_167, %dma_wait3A_334] : memref<1638400x64xf32, #tpu.memory_space<hbm>> -> memref<512x64xf32, #tpu.memory_space<hbm>>
        tpu.wait_dma2 semaphore(%arg18 : memref<!tpu.dma_semaphore, #tpu.memory_space<semaphore_mem>>) src(%arg10 : memref<512x64xf32, #tpu.memory_space<vmem>>) dst(%dma_wait3A_335 : memref<512x64xf32, #tpu.memory_space<hbm>>)
        %add3A_336 = arith.constant 1024 : i32
        %add3A_337 = arith.addi %add3A_167, %add3A_336 : i32
        %dma_wait3A_338 = tpu.memref_slice %arg2[%add3A_337] : memref<1638400xi32, #tpu.memory_space<hbm>> -> memref<512xi32, #tpu.memory_space<hbm>>
        %dma_wait3A_339 = tpu.memref_slice %arg2[%add3A_337] : memref<1638400xi32, #tpu.memory_space<hbm>> -> memref<512xi32, #tpu.memory_space<hbm>>
        tpu.wait_dma2 semaphore(%arg14 : memref<!tpu.dma_semaphore, #tpu.memory_space<semaphore_mem>>) src(%dma_wait3A_339 : memref<512xi32, #tpu.memory_space<hbm>>) dst(%arg8 : memref<512xi32, #tpu.memory_space<vmem>>)
        %dma_start3A_340 = arith.constant 0 : i32
        %dma_start3A_341 = arith.constant 0 : i32
        %dma_start3A_342 = tpu.memref_slice %arg10[%dma_start3A_340, %dma_start3A_341] : memref<512x64xf32, #tpu.memory_space<vmem>> -> memref<128x64xf32, #tpu.memory_space<vmem>>
        %dma_start3A_343 = arith.constant 0 : i32
        %dma_start3A_344 = tpu.memref_slice %arg8[%dma_start3A_343] : memref<512xi32, #tpu.memory_space<vmem>> -> memref<128xi32, #tpu.memory_space<vmem>>
        %dma_start3A_345 = arith.constant 0 : i32
        %dma_start3A_346 = arith.constant 0 : i32
        %dma_start3A_347 = tpu.memref_slice %arg3[%dma_start3A_345, %dma_start3A_346] : memref<1000000x64xf32, #tpu.memory_space<hbm>> -> memref<1000000x64xf32, #tpu.memory_space<hbm>>
        tpu.enqueue_indirect_dma source(%dma_start3A_347 : memref<1000000x64xf32, #tpu.memory_space<hbm>>) target(%dma_start3A_342 : memref<128x64xf32, #tpu.memory_space<vmem>>) offsets(%dma_start3A_344 : memref<128xi32, #tpu.memory_space<vmem>>) semaphore(%arg16 : memref<!tpu.dma_semaphore, #tpu.memory_space<semaphore_mem>>)
        %dma_start3A_348 = arith.constant 128 : i32
        %dma_start3A_349 = arith.constant 0 : i32
        %dma_start3A_350 = tpu.memref_slice %arg10[%dma_start3A_348, %dma_start3A_349] : memref<512x64xf32, #tpu.memory_space<vmem>> -> memref<128x64xf32, #tpu.memory_space<vmem>>
        %dma_start3A_351 = arith.constant 128 : i32
        %dma_start3A_352 = tpu.memref_slice %arg8[%dma_start3A_351] : memref<512xi32, #tpu.memory_space<vmem>> -> memref<128xi32, #tpu.memory_space<vmem>>
        %dma_start3A_353 = arith.constant 0 : i32
        %dma_start3A_354 = arith.constant 0 : i32
        %dma_start3A_355 = tpu.memref_slice %arg3[%dma_start3A_353, %dma_start3A_354] : memref<1000000x64xf32, #tpu.memory_space<hbm>> -> memref<1000000x64xf32, #tpu.memory_space<hbm>>
        tpu.enqueue_indirect_dma source(%dma_start3A_355 : memref<1000000x64xf32, #tpu.memory_space<hbm>>) target(%dma_start3A_350 : memref<128x64xf32, #tpu.memory_space<vmem>>) offsets(%dma_start3A_352 : memref<128xi32, #tpu.memory_space<vmem>>) semaphore(%arg16 : memref<!tpu.dma_semaphore, #tpu.memory_space<semaphore_mem>>)
        %dma_start3A_356 = arith.constant 256 : i32
        %dma_start3A_357 = arith.constant 0 : i32
        %dma_start3A_358 = tpu.memref_slice %arg10[%dma_start3A_356, %dma_start3A_357] : memref<512x64xf32, #tpu.memory_space<vmem>> -> memref<128x64xf32, #tpu.memory_space<vmem>>
        %dma_start3A_359 = arith.constant 256 : i32
        %dma_start3A_360 = tpu.memref_slice %arg8[%dma_start3A_359] : memref<512xi32, #tpu.memory_space<vmem>> -> memref<128xi32, #tpu.memory_space<vmem>>
        %dma_start3A_361 = arith.constant 0 : i32
        %dma_start3A_362 = arith.constant 0 : i32
        %dma_start3A_363 = tpu.memref_slice %arg3[%dma_start3A_361, %dma_start3A_362] : memref<1000000x64xf32, #tpu.memory_space<hbm>> -> memref<1000000x64xf32, #tpu.memory_space<hbm>>
        tpu.enqueue_indirect_dma source(%dma_start3A_363 : memref<1000000x64xf32, #tpu.memory_space<hbm>>) target(%dma_start3A_358 : memref<128x64xf32, #tpu.memory_space<vmem>>) offsets(%dma_start3A_360 : memref<128xi32, #tpu.memory_space<vmem>>) semaphore(%arg16 : memref<!tpu.dma_semaphore, #tpu.memory_space<semaphore_mem>>)
        %dma_start3A_364 = arith.constant 384 : i32
        %dma_start3A_365 = arith.constant 0 : i32
        %dma_start3A_366 = tpu.memref_slice %arg10[%dma_start3A_364, %dma_start3A_365] : memref<512x64xf32, #tpu.memory_space<vmem>> -> memref<128x64xf32, #tpu.memory_space<vmem>>
        %dma_start3A_367 = arith.constant 384 : i32
        %dma_start3A_368 = tpu.memref_slice %arg8[%dma_start3A_367] : memref<512xi32, #tpu.memory_space<vmem>> -> memref<128xi32, #tpu.memory_space<vmem>>
        %dma_start3A_369 = arith.constant 0 : i32
        %dma_start3A_370 = arith.constant 0 : i32
        %dma_start3A_371 = tpu.memref_slice %arg3[%dma_start3A_369, %dma_start3A_370] : memref<1000000x64xf32, #tpu.memory_space<hbm>> -> memref<1000000x64xf32, #tpu.memory_space<hbm>>
        tpu.enqueue_indirect_dma source(%dma_start3A_371 : memref<1000000x64xf32, #tpu.memory_space<hbm>>) target(%dma_start3A_366 : memref<128x64xf32, #tpu.memory_space<vmem>>) offsets(%dma_start3A_368 : memref<128xi32, #tpu.memory_space<vmem>>) semaphore(%arg16 : memref<!tpu.dma_semaphore, #tpu.memory_space<semaphore_mem>>)
      } else {
      }
      %mul3A_218 = arith.constant 4 : i32
      %mul3A_219 = arith.muli %scan3A_106, %mul3A_218 : i32
      %add3A_220 = arith.constant 2 : i32
      %add3A_221 = arith.addi %mul3A_219, %add3A_220 : i32
      %mul3A_222 = arith.constant 512 : i32
      %mul3A_223 = arith.muli %add3A_221, %mul3A_222 : i32
      %add3A_224 = arith.addi %mul3A_2, %mul3A_223 : i32
      %dma_wait3A_225 = arith.constant 0 : i32
      %dma_wait3A_226 = arith.constant 0 : i32
      %dma_wait3A_227 = tpu.memref_slice %arg9[%dma_wait3A_225, %dma_wait3A_226] : memref<512x64xf32, #tpu.memory_space<vmem>> -> memref<128x64xf32, #tpu.memory_space<vmem>>
      %dma_wait3A_228 = arith.constant 0 : i32
      %dma_wait3A_229 = tpu.memref_slice %arg7[%dma_wait3A_228] : memref<512xi32, #tpu.memory_space<vmem>> -> memref<128xi32, #tpu.memory_space<vmem>>
      %dma_wait3A_230 = arith.constant 0 : i32
      %dma_wait3A_231 = arith.constant 0 : i32
      %dma_wait3A_232 = tpu.memref_slice %arg3[%dma_wait3A_230, %dma_wait3A_231] : memref<1000000x64xf32, #tpu.memory_space<hbm>> -> memref<1000000x64xf32, #tpu.memory_space<hbm>>
      tpu.wait_indirect_dma semaphore(%arg15 : memref<!tpu.dma_semaphore, #tpu.memory_space<semaphore_mem>>) src(%dma_wait3A_232 : memref<1000000x64xf32, #tpu.memory_space<hbm>>) dst(%dma_wait3A_227 : memref<128x64xf32, #tpu.memory_space<vmem>>)
      %dma_wait3A_233 = arith.constant 128 : i32
      %dma_wait3A_234 = arith.constant 0 : i32
      %dma_wait3A_235 = tpu.memref_slice %arg9[%dma_wait3A_233, %dma_wait3A_234] : memref<512x64xf32, #tpu.memory_space<vmem>> -> memref<128x64xf32, #tpu.memory_space<vmem>>
      %dma_wait3A_236 = arith.constant 128 : i32
      %dma_wait3A_237 = tpu.memref_slice %arg7[%dma_wait3A_236] : memref<512xi32, #tpu.memory_space<vmem>> -> memref<128xi32, #tpu.memory_space<vmem>>
      %dma_wait3A_238 = arith.constant 0 : i32
      %dma_wait3A_239 = arith.constant 0 : i32
      %dma_wait3A_240 = tpu.memref_slice %arg3[%dma_wait3A_238, %dma_wait3A_239] : memref<1000000x64xf32, #tpu.memory_space<hbm>> -> memref<1000000x64xf32, #tpu.memory_space<hbm>>
      tpu.wait_indirect_dma semaphore(%arg15 : memref<!tpu.dma_semaphore, #tpu.memory_space<semaphore_mem>>) src(%dma_wait3A_240 : memref<1000000x64xf32, #tpu.memory_space<hbm>>) dst(%dma_wait3A_235 : memref<128x64xf32, #tpu.memory_space<vmem>>)
      %dma_wait3A_241 = arith.constant 256 : i32
      %dma_wait3A_242 = arith.constant 0 : i32
      %dma_wait3A_243 = tpu.memref_slice %arg9[%dma_wait3A_241, %dma_wait3A_242] : memref<512x64xf32, #tpu.memory_space<vmem>> -> memref<128x64xf32, #tpu.memory_space<vmem>>
      %dma_wait3A_244 = arith.constant 256 : i32
      %dma_wait3A_245 = tpu.memref_slice %arg7[%dma_wait3A_244] : memref<512xi32, #tpu.memory_space<vmem>> -> memref<128xi32, #tpu.memory_space<vmem>>
      %dma_wait3A_246 = arith.constant 0 : i32
      %dma_wait3A_247 = arith.constant 0 : i32
      %dma_wait3A_248 = tpu.memref_slice %arg3[%dma_wait3A_246, %dma_wait3A_247] : memref<1000000x64xf32, #tpu.memory_space<hbm>> -> memref<1000000x64xf32, #tpu.memory_space<hbm>>
      tpu.wait_indirect_dma semaphore(%arg15 : memref<!tpu.dma_semaphore, #tpu.memory_space<semaphore_mem>>) src(%dma_wait3A_248 : memref<1000000x64xf32, #tpu.memory_space<hbm>>) dst(%dma_wait3A_243 : memref<128x64xf32, #tpu.memory_space<vmem>>)
      %dma_wait3A_249 = arith.constant 384 : i32
      %dma_wait3A_250 = arith.constant 0 : i32
      %dma_wait3A_251 = tpu.memref_slice %arg9[%dma_wait3A_249, %dma_wait3A_250] : memref<512x64xf32, #tpu.memory_space<vmem>> -> memref<128x64xf32, #tpu.memory_space<vmem>>
      %dma_wait3A_252 = arith.constant 384 : i32
      %dma_wait3A_253 = tpu.memref_slice %arg7[%dma_wait3A_252] : memref<512xi32, #tpu.memory_space<vmem>> -> memref<128xi32, #tpu.memory_space<vmem>>
      %dma_wait3A_254 = arith.constant 0 : i32
      %dma_wait3A_255 = arith.constant 0 : i32
      %dma_wait3A_256 = tpu.memref_slice %arg3[%dma_wait3A_254, %dma_wait3A_255] : memref<1000000x64xf32, #tpu.memory_space<hbm>> -> memref<1000000x64xf32, #tpu.memory_space<hbm>>
      tpu.wait_indirect_dma semaphore(%arg15 : memref<!tpu.dma_semaphore, #tpu.memory_space<semaphore_mem>>) src(%dma_wait3A_256 : memref<1000000x64xf32, #tpu.memory_space<hbm>>) dst(%dma_wait3A_251 : memref<128x64xf32, #tpu.memory_space<vmem>>)
      %dma_start3A_257 = arith.constant 0 : i32
      %dma_start3A_258 = tpu.memref_slice %arg4[%add3A_224, %dma_start3A_257] : memref<1638400x64xf32, #tpu.memory_space<hbm>> -> memref<512x64xf32, #tpu.memory_space<hbm>>
      %dma_start3A_259 = arith.constant 0 : i32
      %dma_start3A_260 = tpu.memref_slice %arg4[%add3A_224, %dma_start3A_259] : memref<1638400x64xf32, #tpu.memory_space<hbm>> -> memref<512x64xf32, #tpu.memory_space<hbm>>
      tpu.enqueue_dma source(%arg9 : memref<512x64xf32, #tpu.memory_space<vmem>>) target(%dma_start3A_260 : memref<512x64xf32, #tpu.memory_space<hbm>>) target_semaphore(%arg17 : memref<!tpu.dma_semaphore, #tpu.memory_space<semaphore_mem>>)
      %add3A_261 = arith.constant 4 : i32
      %add3A_262 = arith.addi %add3A_221, %add3A_261 : i32
      %lt3A_263 = arith.constant 100 : i32
      %lt3A_264 = arith.cmpi slt, %add3A_262, %lt3A_263 : i32
      %convert_element_type3A_265 = arith.extui %lt3A_264 : i1 to i32
      %cond3A_266 = arith.constant 0 : i32
      %cond3A_267 = arith.cmpi ne, %convert_element_type3A_265, %cond3A_266 : i32
      scf.if %cond3A_267 {
        %add3A_332 = arith.constant 2048 : i32
        %add3A_333 = arith.addi %add3A_224, %add3A_332 : i32
        %dma_start3A_334 = tpu.memref_slice %arg2[%add3A_333] : memref<1638400xi32, #tpu.memory_space<hbm>> -> memref<512xi32, #tpu.memory_space<hbm>>
        %dma_start3A_335 = tpu.memref_slice %arg2[%add3A_333] : memref<1638400xi32, #tpu.memory_space<hbm>> -> memref<512xi32, #tpu.memory_space<hbm>>
        tpu.enqueue_dma source(%dma_start3A_335 : memref<512xi32, #tpu.memory_space<hbm>>) target(%arg7 : memref<512xi32, #tpu.memory_space<vmem>>) target_semaphore(%arg13 : memref<!tpu.dma_semaphore, #tpu.memory_space<semaphore_mem>>)
      } else {
      }
      %add3A_268 = arith.constant 2 : i32
      %add3A_269 = arith.addi %add3A_221, %add3A_268 : i32
      %lt3A_270 = arith.constant 100 : i32
      %lt3A_271 = arith.cmpi slt, %add3A_269, %lt3A_270 : i32
      %convert_element_type3A_272 = arith.extui %lt3A_271 : i1 to i32
      %cond3A_273 = arith.constant 0 : i32
      %cond3A_274 = arith.cmpi ne, %convert_element_type3A_272, %cond3A_273 : i32
      scf.if %cond3A_274 {
        %dma_wait3A_332 = arith.constant 0 : i32
        %dma_wait3A_333 = tpu.memref_slice %arg4[%add3A_224, %dma_wait3A_332] : memref<1638400x64xf32, #tpu.memory_space<hbm>> -> memref<512x64xf32, #tpu.memory_space<hbm>>
        %dma_wait3A_334 = arith.constant 0 : i32
        %dma_wait3A_335 = tpu.memref_slice %arg4[%add3A_224, %dma_wait3A_334] : memref<1638400x64xf32, #tpu.memory_space<hbm>> -> memref<512x64xf32, #tpu.memory_space<hbm>>
        tpu.wait_dma2 semaphore(%arg17 : memref<!tpu.dma_semaphore, #tpu.memory_space<semaphore_mem>>) src(%arg9 : memref<512x64xf32, #tpu.memory_space<vmem>>) dst(%dma_wait3A_335 : memref<512x64xf32, #tpu.memory_space<hbm>>)
        %add3A_336 = arith.constant 1024 : i32
        %add3A_337 = arith.addi %add3A_224, %add3A_336 : i32
        %dma_wait3A_338 = tpu.memref_slice %arg2[%add3A_337] : memref<1638400xi32, #tpu.memory_space<hbm>> -> memref<512xi32, #tpu.memory_space<hbm>>
        %dma_wait3A_339 = tpu.memref_slice %arg2[%add3A_337] : memref<1638400xi32, #tpu.memory_space<hbm>> -> memref<512xi32, #tpu.memory_space<hbm>>
        tpu.wait_dma2 semaphore(%arg11 : memref<!tpu.dma_semaphore, #tpu.memory_space<semaphore_mem>>) src(%dma_wait3A_339 : memref<512xi32, #tpu.memory_space<hbm>>) dst(%arg5 : memref<512xi32, #tpu.memory_space<vmem>>)
        %dma_start3A_340 = arith.constant 0 : i32
        %dma_start3A_341 = arith.constant 0 : i32
        %dma_start3A_342 = tpu.memref_slice %arg9[%dma_start3A_340, %dma_start3A_341] : memref<512x64xf32, #tpu.memory_space<vmem>> -> memref<128x64xf32, #tpu.memory_space<vmem>>
        %dma_start3A_343 = arith.constant 0 : i32
        %dma_start3A_344 = tpu.memref_slice %arg5[%dma_start3A_343] : memref<512xi32, #tpu.memory_space<vmem>> -> memref<128xi32, #tpu.memory_space<vmem>>
        %dma_start3A_345 = arith.constant 0 : i32
        %dma_start3A_346 = arith.constant 0 : i32
        %dma_start3A_347 = tpu.memref_slice %arg3[%dma_start3A_345, %dma_start3A_346] : memref<1000000x64xf32, #tpu.memory_space<hbm>> -> memref<1000000x64xf32, #tpu.memory_space<hbm>>
        tpu.enqueue_indirect_dma source(%dma_start3A_347 : memref<1000000x64xf32, #tpu.memory_space<hbm>>) target(%dma_start3A_342 : memref<128x64xf32, #tpu.memory_space<vmem>>) offsets(%dma_start3A_344 : memref<128xi32, #tpu.memory_space<vmem>>) semaphore(%arg15 : memref<!tpu.dma_semaphore, #tpu.memory_space<semaphore_mem>>)
        %dma_start3A_348 = arith.constant 128 : i32
        %dma_start3A_349 = arith.constant 0 : i32
        %dma_start3A_350 = tpu.memref_slice %arg9[%dma_start3A_348, %dma_start3A_349] : memref<512x64xf32, #tpu.memory_space<vmem>> -> memref<128x64xf32, #tpu.memory_space<vmem>>
        %dma_start3A_351 = arith.constant 128 : i32
        %dma_start3A_352 = tpu.memref_slice %arg5[%dma_start3A_351] : memref<512xi32, #tpu.memory_space<vmem>> -> memref<128xi32, #tpu.memory_space<vmem>>
        %dma_start3A_353 = arith.constant 0 : i32
        %dma_start3A_354 = arith.constant 0 : i32
        %dma_start3A_355 = tpu.memref_slice %arg3[%dma_start3A_353, %dma_start3A_354] : memref<1000000x64xf32, #tpu.memory_space<hbm>> -> memref<1000000x64xf32, #tpu.memory_space<hbm>>
        tpu.enqueue_indirect_dma source(%dma_start3A_355 : memref<1000000x64xf32, #tpu.memory_space<hbm>>) target(%dma_start3A_350 : memref<128x64xf32, #tpu.memory_space<vmem>>) offsets(%dma_start3A_352 : memref<128xi32, #tpu.memory_space<vmem>>) semaphore(%arg15 : memref<!tpu.dma_semaphore, #tpu.memory_space<semaphore_mem>>)
        %dma_start3A_356 = arith.constant 256 : i32
        %dma_start3A_357 = arith.constant 0 : i32
        %dma_start3A_358 = tpu.memref_slice %arg9[%dma_start3A_356, %dma_start3A_357] : memref<512x64xf32, #tpu.memory_space<vmem>> -> memref<128x64xf32, #tpu.memory_space<vmem>>
        %dma_start3A_359 = arith.constant 256 : i32
        %dma_start3A_360 = tpu.memref_slice %arg5[%dma_start3A_359] : memref<512xi32, #tpu.memory_space<vmem>> -> memref<128xi32, #tpu.memory_space<vmem>>
        %dma_start3A_361 = arith.constant 0 : i32
        %dma_start3A_362 = arith.constant 0 : i32
        %dma_start3A_363 = tpu.memref_slice %arg3[%dma_start3A_361, %dma_start3A_362] : memref<1000000x64xf32, #tpu.memory_space<hbm>> -> memref<1000000x64xf32, #tpu.memory_space<hbm>>
        tpu.enqueue_indirect_dma source(%dma_start3A_363 : memref<1000000x64xf32, #tpu.memory_space<hbm>>) target(%dma_start3A_358 : memref<128x64xf32, #tpu.memory_space<vmem>>) offsets(%dma_start3A_360 : memref<128xi32, #tpu.memory_space<vmem>>) semaphore(%arg15 : memref<!tpu.dma_semaphore, #tpu.memory_space<semaphore_mem>>)
        %dma_start3A_364 = arith.constant 384 : i32
        %dma_start3A_365 = arith.constant 0 : i32
        %dma_start3A_366 = tpu.memref_slice %arg9[%dma_start3A_364, %dma_start3A_365] : memref<512x64xf32, #tpu.memory_space<vmem>> -> memref<128x64xf32, #tpu.memory_space<vmem>>
        %dma_start3A_367 = arith.constant 384 : i32
        %dma_start3A_368 = tpu.memref_slice %arg5[%dma_start3A_367] : memref<512xi32, #tpu.memory_space<vmem>> -> memref<128xi32, #tpu.memory_space<vmem>>
        %dma_start3A_369 = arith.constant 0 : i32
        %dma_start3A_370 = arith.constant 0 : i32
        %dma_start3A_371 = tpu.memref_slice %arg3[%dma_start3A_369, %dma_start3A_370] : memref<1000000x64xf32, #tpu.memory_space<hbm>> -> memref<1000000x64xf32, #tpu.memory_space<hbm>>
        tpu.enqueue_indirect_dma source(%dma_start3A_371 : memref<1000000x64xf32, #tpu.memory_space<hbm>>) target(%dma_start3A_366 : memref<128x64xf32, #tpu.memory_space<vmem>>) offsets(%dma_start3A_368 : memref<128xi32, #tpu.memory_space<vmem>>) semaphore(%arg15 : memref<!tpu.dma_semaphore, #tpu.memory_space<semaphore_mem>>)
      } else {
      }
      %mul3A_275 = arith.constant 4 : i32
      %mul3A_276 = arith.muli %scan3A_106, %mul3A_275 : i32
      %add3A_277 = arith.constant 3 : i32
      %add3A_278 = arith.addi %mul3A_276, %add3A_277 : i32
      %mul3A_279 = arith.constant 512 : i32
      %mul3A_280 = arith.muli %add3A_278, %mul3A_279 : i32
      %add3A_281 = arith.addi %mul3A_2, %mul3A_280 : i32
      %dma_wait3A_282 = arith.constant 0 : i32
      %dma_wait3A_283 = arith.constant 0 : i32
      %dma_wait3A_284 = tpu.memref_slice %arg10[%dma_wait3A_282, %dma_wait3A_283] : memref<512x64xf32, #tpu.memory_space<vmem>> -> memref<128x64xf32, #tpu.memory_space<vmem>>
      %dma_wait3A_285 = arith.constant 0 : i32
      %dma_wait3A_286 = tpu.memref_slice %arg8[%dma_wait3A_285] : memref<512xi32, #tpu.memory_space<vmem>> -> memref<128xi32, #tpu.memory_space<vmem>>
      %dma_wait3A_287 = arith.constant 0 : i32
      %dma_wait3A_288 = arith.constant 0 : i32
      %dma_wait3A_289 = tpu.memref_slice %arg3[%dma_wait3A_287, %dma_wait3A_288] : memref<1000000x64xf32, #tpu.memory_space<hbm>> -> memref<1000000x64xf32, #tpu.memory_space<hbm>>
      tpu.wait_indirect_dma semaphore(%arg16 : memref<!tpu.dma_semaphore, #tpu.memory_space<semaphore_mem>>) src(%dma_wait3A_289 : memref<1000000x64xf32, #tpu.memory_space<hbm>>) dst(%dma_wait3A_284 : memref<128x64xf32, #tpu.memory_space<vmem>>)
      %dma_wait3A_290 = arith.constant 128 : i32
      %dma_wait3A_291 = arith.constant 0 : i32
      %dma_wait3A_292 = tpu.memref_slice %arg10[%dma_wait3A_290, %dma_wait3A_291] : memref<512x64xf32, #tpu.memory_space<vmem>> -> memref<128x64xf32, #tpu.memory_space<vmem>>
      %dma_wait3A_293 = arith.constant 128 : i32
      %dma_wait3A_294 = tpu.memref_slice %arg8[%dma_wait3A_293] : memref<512xi32, #tpu.memory_space<vmem>> -> memref<128xi32, #tpu.memory_space<vmem>>
      %dma_wait3A_295 = arith.constant 0 : i32
      %dma_wait3A_296 = arith.constant 0 : i32
      %dma_wait3A_297 = tpu.memref_slice %arg3[%dma_wait3A_295, %dma_wait3A_296] : memref<1000000x64xf32, #tpu.memory_space<hbm>> -> memref<1000000x64xf32, #tpu.memory_space<hbm>>
      tpu.wait_indirect_dma semaphore(%arg16 : memref<!tpu.dma_semaphore, #tpu.memory_space<semaphore_mem>>) src(%dma_wait3A_297 : memref<1000000x64xf32, #tpu.memory_space<hbm>>) dst(%dma_wait3A_292 : memref<128x64xf32, #tpu.memory_space<vmem>>)
      %dma_wait3A_298 = arith.constant 256 : i32
      %dma_wait3A_299 = arith.constant 0 : i32
      %dma_wait3A_300 = tpu.memref_slice %arg10[%dma_wait3A_298, %dma_wait3A_299] : memref<512x64xf32, #tpu.memory_space<vmem>> -> memref<128x64xf32, #tpu.memory_space<vmem>>
      %dma_wait3A_301 = arith.constant 256 : i32
      %dma_wait3A_302 = tpu.memref_slice %arg8[%dma_wait3A_301] : memref<512xi32, #tpu.memory_space<vmem>> -> memref<128xi32, #tpu.memory_space<vmem>>
      %dma_wait3A_303 = arith.constant 0 : i32
      %dma_wait3A_304 = arith.constant 0 : i32
      %dma_wait3A_305 = tpu.memref_slice %arg3[%dma_wait3A_303, %dma_wait3A_304] : memref<1000000x64xf32, #tpu.memory_space<hbm>> -> memref<1000000x64xf32, #tpu.memory_space<hbm>>
      tpu.wait_indirect_dma semaphore(%arg16 : memref<!tpu.dma_semaphore, #tpu.memory_space<semaphore_mem>>) src(%dma_wait3A_305 : memref<1000000x64xf32, #tpu.memory_space<hbm>>) dst(%dma_wait3A_300 : memref<128x64xf32, #tpu.memory_space<vmem>>)
      %dma_wait3A_306 = arith.constant 384 : i32
      %dma_wait3A_307 = arith.constant 0 : i32
      %dma_wait3A_308 = tpu.memref_slice %arg10[%dma_wait3A_306, %dma_wait3A_307] : memref<512x64xf32, #tpu.memory_space<vmem>> -> memref<128x64xf32, #tpu.memory_space<vmem>>
      %dma_wait3A_309 = arith.constant 384 : i32
      %dma_wait3A_310 = tpu.memref_slice %arg8[%dma_wait3A_309] : memref<512xi32, #tpu.memory_space<vmem>> -> memref<128xi32, #tpu.memory_space<vmem>>
      %dma_wait3A_311 = arith.constant 0 : i32
      %dma_wait3A_312 = arith.constant 0 : i32
      %dma_wait3A_313 = tpu.memref_slice %arg3[%dma_wait3A_311, %dma_wait3A_312] : memref<1000000x64xf32, #tpu.memory_space<hbm>> -> memref<1000000x64xf32, #tpu.memory_space<hbm>>
      tpu.wait_indirect_dma semaphore(%arg16 : memref<!tpu.dma_semaphore, #tpu.memory_space<semaphore_mem>>) src(%dma_wait3A_313 : memref<1000000x64xf32, #tpu.memory_space<hbm>>) dst(%dma_wait3A_308 : memref<128x64xf32, #tpu.memory_space<vmem>>)
      %dma_start3A_314 = arith.constant 0 : i32
      %dma_start3A_315 = tpu.memref_slice %arg4[%add3A_281, %dma_start3A_314] : memref<1638400x64xf32, #tpu.memory_space<hbm>> -> memref<512x64xf32, #tpu.memory_space<hbm>>
      %dma_start3A_316 = arith.constant 0 : i32
      %dma_start3A_317 = tpu.memref_slice %arg4[%add3A_281, %dma_start3A_316] : memref<1638400x64xf32, #tpu.memory_space<hbm>> -> memref<512x64xf32, #tpu.memory_space<hbm>>
      tpu.enqueue_dma source(%arg10 : memref<512x64xf32, #tpu.memory_space<vmem>>) target(%dma_start3A_317 : memref<512x64xf32, #tpu.memory_space<hbm>>) target_semaphore(%arg18 : memref<!tpu.dma_semaphore, #tpu.memory_space<semaphore_mem>>)
      %add3A_318 = arith.constant 4 : i32
      %add3A_319 = arith.addi %add3A_278, %add3A_318 : i32
      %lt3A_320 = arith.constant 100 : i32
      %lt3A_321 = arith.cmpi slt, %add3A_319, %lt3A_320 : i32
      %convert_element_type3A_322 = arith.extui %lt3A_321 : i1 to i32
      %cond3A_323 = arith.constant 0 : i32
      %cond3A_324 = arith.cmpi ne, %convert_element_type3A_322, %cond3A_323 : i32
      scf.if %cond3A_324 {
        %add3A_332 = arith.constant 2048 : i32
        %add3A_333 = arith.addi %add3A_281, %add3A_332 : i32
        %dma_start3A_334 = tpu.memref_slice %arg2[%add3A_333] : memref<1638400xi32, #tpu.memory_space<hbm>> -> memref<512xi32, #tpu.memory_space<hbm>>
        %dma_start3A_335 = tpu.memref_slice %arg2[%add3A_333] : memref<1638400xi32, #tpu.memory_space<hbm>> -> memref<512xi32, #tpu.memory_space<hbm>>
        tpu.enqueue_dma source(%dma_start3A_335 : memref<512xi32, #tpu.memory_space<hbm>>) target(%arg8 : memref<512xi32, #tpu.memory_space<vmem>>) target_semaphore(%arg14 : memref<!tpu.dma_semaphore, #tpu.memory_space<semaphore_mem>>)
      } else {
      }
      %add3A_325 = arith.constant 2 : i32
      %add3A_326 = arith.addi %add3A_278, %add3A_325 : i32
      %lt3A_327 = arith.constant 100 : i32
      %lt3A_328 = arith.cmpi slt, %add3A_326, %lt3A_327 : i32
      %convert_element_type3A_329 = arith.extui %lt3A_328 : i1 to i32
      %cond3A_330 = arith.constant 0 : i32
      %cond3A_331 = arith.cmpi ne, %convert_element_type3A_329, %cond3A_330 : i32
      scf.if %cond3A_331 {
        %dma_wait3A_332 = arith.constant 0 : i32
        %dma_wait3A_333 = tpu.memref_slice %arg4[%add3A_281, %dma_wait3A_332] : memref<1638400x64xf32, #tpu.memory_space<hbm>> -> memref<512x64xf32, #tpu.memory_space<hbm>>
        %dma_wait3A_334 = arith.constant 0 : i32
        %dma_wait3A_335 = tpu.memref_slice %arg4[%add3A_281, %dma_wait3A_334] : memref<1638400x64xf32, #tpu.memory_space<hbm>> -> memref<512x64xf32, #tpu.memory_space<hbm>>
        tpu.wait_dma2 semaphore(%arg18 : memref<!tpu.dma_semaphore, #tpu.memory_space<semaphore_mem>>) src(%arg10 : memref<512x64xf32, #tpu.memory_space<vmem>>) dst(%dma_wait3A_335 : memref<512x64xf32, #tpu.memory_space<hbm>>)
        %add3A_336 = arith.constant 1024 : i32
        %add3A_337 = arith.addi %add3A_281, %add3A_336 : i32
        %dma_wait3A_338 = tpu.memref_slice %arg2[%add3A_337] : memref<1638400xi32, #tpu.memory_space<hbm>> -> memref<512xi32, #tpu.memory_space<hbm>>
        %dma_wait3A_339 = tpu.memref_slice %arg2[%add3A_337] : memref<1638400xi32, #tpu.memory_space<hbm>> -> memref<512xi32, #tpu.memory_space<hbm>>
        tpu.wait_dma2 semaphore(%arg12 : memref<!tpu.dma_semaphore, #tpu.memory_space<semaphore_mem>>) src(%dma_wait3A_339 : memref<512xi32, #tpu.memory_space<hbm>>) dst(%arg6 : memref<512xi32, #tpu.memory_space<vmem>>)
        %dma_start3A_340 = arith.constant 0 : i32
        %dma_start3A_341 = arith.constant 0 : i32
        %dma_start3A_342 = tpu.memref_slice %arg10[%dma_start3A_340, %dma_start3A_341] : memref<512x64xf32, #tpu.memory_space<vmem>> -> memref<128x64xf32, #tpu.memory_space<vmem>>
        %dma_start3A_343 = arith.constant 0 : i32
        %dma_start3A_344 = tpu.memref_slice %arg6[%dma_start3A_343] : memref<512xi32, #tpu.memory_space<vmem>> -> memref<128xi32, #tpu.memory_space<vmem>>
        %dma_start3A_345 = arith.constant 0 : i32
        %dma_start3A_346 = arith.constant 0 : i32
        %dma_start3A_347 = tpu.memref_slice %arg3[%dma_start3A_345, %dma_start3A_346] : memref<1000000x64xf32, #tpu.memory_space<hbm>> -> memref<1000000x64xf32, #tpu.memory_space<hbm>>
        tpu.enqueue_indirect_dma source(%dma_start3A_347 : memref<1000000x64xf32, #tpu.memory_space<hbm>>) target(%dma_start3A_342 : memref<128x64xf32, #tpu.memory_space<vmem>>) offsets(%dma_start3A_344 : memref<128xi32, #tpu.memory_space<vmem>>) semaphore(%arg16 : memref<!tpu.dma_semaphore, #tpu.memory_space<semaphore_mem>>)
        %dma_start3A_348 = arith.constant 128 : i32
        %dma_start3A_349 = arith.constant 0 : i32
        %dma_start3A_350 = tpu.memref_slice %arg10[%dma_start3A_348, %dma_start3A_349] : memref<512x64xf32, #tpu.memory_space<vmem>> -> memref<128x64xf32, #tpu.memory_space<vmem>>
        %dma_start3A_351 = arith.constant 128 : i32
        %dma_start3A_352 = tpu.memref_slice %arg6[%dma_start3A_351] : memref<512xi32, #tpu.memory_space<vmem>> -> memref<128xi32, #tpu.memory_space<vmem>>
        %dma_start3A_353 = arith.constant 0 : i32
        %dma_start3A_354 = arith.constant 0 : i32
        %dma_start3A_355 = tpu.memref_slice %arg3[%dma_start3A_353, %dma_start3A_354] : memref<1000000x64xf32, #tpu.memory_space<hbm>> -> memref<1000000x64xf32, #tpu.memory_space<hbm>>
        tpu.enqueue_indirect_dma source(%dma_start3A_355 : memref<1000000x64xf32, #tpu.memory_space<hbm>>) target(%dma_start3A_350 : memref<128x64xf32, #tpu.memory_space<vmem>>) offsets(%dma_start3A_352 : memref<128xi32, #tpu.memory_space<vmem>>) semaphore(%arg16 : memref<!tpu.dma_semaphore, #tpu.memory_space<semaphore_mem>>)
        %dma_start3A_356 = arith.constant 256 : i32
        %dma_start3A_357 = arith.constant 0 : i32
        %dma_start3A_358 = tpu.memref_slice %arg10[%dma_start3A_356, %dma_start3A_357] : memref<512x64xf32, #tpu.memory_space<vmem>> -> memref<128x64xf32, #tpu.memory_space<vmem>>
        %dma_start3A_359 = arith.constant 256 : i32
        %dma_start3A_360 = tpu.memref_slice %arg6[%dma_start3A_359] : memref<512xi32, #tpu.memory_space<vmem>> -> memref<128xi32, #tpu.memory_space<vmem>>
        %dma_start3A_361 = arith.constant 0 : i32
        %dma_start3A_362 = arith.constant 0 : i32
        %dma_start3A_363 = tpu.memref_slice %arg3[%dma_start3A_361, %dma_start3A_362] : memref<1000000x64xf32, #tpu.memory_space<hbm>> -> memref<1000000x64xf32, #tpu.memory_space<hbm>>
        tpu.enqueue_indirect_dma source(%dma_start3A_363 : memref<1000000x64xf32, #tpu.memory_space<hbm>>) target(%dma_start3A_358 : memref<128x64xf32, #tpu.memory_space<vmem>>) offsets(%dma_start3A_360 : memref<128xi32, #tpu.memory_space<vmem>>) semaphore(%arg16 : memref<!tpu.dma_semaphore, #tpu.memory_space<semaphore_mem>>)
        %dma_start3A_364 = arith.constant 384 : i32
        %dma_start3A_365 = arith.constant 0 : i32
        %dma_start3A_366 = tpu.memref_slice %arg10[%dma_start3A_364, %dma_start3A_365] : memref<512x64xf32, #tpu.memory_space<vmem>> -> memref<128x64xf32, #tpu.memory_space<vmem>>
        %dma_start3A_367 = arith.constant 384 : i32
        %dma_start3A_368 = tpu.memref_slice %arg6[%dma_start3A_367] : memref<512xi32, #tpu.memory_space<vmem>> -> memref<128xi32, #tpu.memory_space<vmem>>
        %dma_start3A_369 = arith.constant 0 : i32
        %dma_start3A_370 = arith.constant 0 : i32
        %dma_start3A_371 = tpu.memref_slice %arg3[%dma_start3A_369, %dma_start3A_370] : memref<1000000x64xf32, #tpu.memory_space<hbm>> -> memref<1000000x64xf32, #tpu.memory_space<hbm>>
        tpu.enqueue_indirect_dma source(%dma_start3A_371 : memref<1000000x64xf32, #tpu.memory_space<hbm>>) target(%dma_start3A_366 : memref<128x64xf32, #tpu.memory_space<vmem>>) offsets(%dma_start3A_368 : memref<128xi32, #tpu.memory_space<vmem>>) semaphore(%arg16 : memref<!tpu.dma_semaphore, #tpu.memory_space<semaphore_mem>>)
      } else {
      }
    }
    %scan3A_93 = arith.constant 25 : i32
    %add3A_94 = arith.constant 50176 : i32
    %add3A_95 = arith.addi %mul3A_2, %add3A_94 : i32
    %dma_wait3A_96 = arith.constant 0 : i32
    %dma_wait3A_97 = tpu.memref_slice %arg4[%add3A_95, %dma_wait3A_96] : memref<1638400x64xf32, #tpu.memory_space<hbm>> -> memref<512x64xf32, #tpu.memory_space<hbm>>
    %dma_wait3A_98 = arith.constant 0 : i32
    %dma_wait3A_99 = tpu.memref_slice %arg4[%add3A_95, %dma_wait3A_98] : memref<1638400x64xf32, #tpu.memory_space<hbm>> -> memref<512x64xf32, #tpu.memory_space<hbm>>
    tpu.wait_dma2 semaphore(%arg17 : memref<!tpu.dma_semaphore, #tpu.memory_space<semaphore_mem>>) src(%arg9 : memref<512x64xf32, #tpu.memory_space<vmem>>) dst(%dma_wait3A_99 : memref<512x64xf32, #tpu.memory_space<hbm>>)
    %add3A_100 = arith.constant 50688 : i32
    %add3A_101 = arith.addi %mul3A_2, %add3A_100 : i32
    %dma_wait3A_102 = arith.constant 0 : i32
    %dma_wait3A_103 = tpu.memref_slice %arg4[%add3A_101, %dma_wait3A_102] : memref<1638400x64xf32, #tpu.memory_space<hbm>> -> memref<512x64xf32, #tpu.memory_space<hbm>>
    %dma_wait3A_104 = arith.constant 0 : i32
    %dma_wait3A_105 = tpu.memref_slice %arg4[%add3A_101, %dma_wait3A_104] : memref<1638400x64xf32, #tpu.memory_space<hbm>> -> memref<512x64xf32, #tpu.memory_space<hbm>>
    tpu.wait_dma2 semaphore(%arg18 : memref<!tpu.dma_semaphore, #tpu.memory_space<semaphore_mem>>) src(%arg10 : memref<512x64xf32, #tpu.memory_space<vmem>>) dst(%dma_wait3A_105 : memref<512x64xf32, #tpu.memory_space<hbm>>)
    return
  }
}

#map = affine_map<(d0, d1) -> (0)>
#map1 = affine_map<(d0, d1) -> (0, 0)>
module attributes {stable_mosaic.version = 14 : i64} {
  func.func @_gather(%arg0: i32, %arg1: i32, %arg2: memref<1638400xi32, #tpu.memory_space<hbm>>, %arg3: memref<1000000x64xf32, #tpu.memory_space<hbm>>, %arg4: memref<1638400x64xf32, #tpu.memory_space<hbm>>, %arg5: memref<512xi32, #tpu.memory_space<vmem>>, %arg6: memref<512xi32, #tpu.memory_space<vmem>>, %arg7: memref<512xi32, #tpu.memory_space<vmem>>, %arg8: memref<512xi32, #tpu.memory_space<vmem>>, %arg9: memref<512x64xf32, #tpu.memory_space<vmem>>, %arg10: memref<512x64xf32, #tpu.memory_space<vmem>>, %arg11: memref<!tpu.dma_semaphore, #tpu.memory_space<semaphore_mem>>, %arg12: memref<!tpu.dma_semaphore, #tpu.memory_space<semaphore_mem>>, %arg13: memref<!tpu.dma_semaphore, #tpu.memory_space<semaphore_mem>>, %arg14: memref<!tpu.dma_semaphore, #tpu.memory_space<semaphore_mem>>, %arg15: memref<!tpu.dma_semaphore, #tpu.memory_space<semaphore_mem>>, %arg16: memref<!tpu.dma_semaphore, #tpu.memory_space<semaphore_mem>>, %arg17: memref<!tpu.dma_semaphore, #tpu.memory_space<semaphore_mem>>, %arg18: memref<!tpu.dma_semaphore, #tpu.memory_space<semaphore_mem>>) attributes {dimension_semantics = [#tpu.dimension_semantics<core_parallel>, #tpu.dimension_semantics<subcore_parallel>], iteration_bounds = array<i64: 2, 16>, scalar_prefetch = 0 : i64, scratch_operands = 14 : i64, tpu.core_type = #tpu.core_type<sc_vector_subcore>, window_params = [{transform_indices = #map}, {transform_indices = #map1}, {transform_indices = #map1}]} {
    %mul3A = arith.constant 2 : i32
    %mul3A_0 = arith.muli %arg1, %mul3A : i32
    %add3A = arith.addi %mul3A_0, %arg0 : i32
    %mul3A_1 = arith.constant 51200 : i32
    %mul3A_2 = arith.muli %add3A, %mul3A_1 : i32
    %add3A_3 = arith.constant 0 : i32
    %add3A_4 = arith.addi %mul3A_2, %add3A_3 : i32
    %dma_start3A = tpu.memref_slice %arg2[%add3A_4] : memref<1638400xi32, #tpu.memory_space<hbm>> -> memref<512xi32, #tpu.memory_space<hbm>>
    %dma_start3A_5 = tpu.memref_slice %arg2[%add3A_4] : memref<1638400xi32, #tpu.memory_space<hbm>> -> memref<512xi32, #tpu.memory_space<hbm>>
    tpu.enqueue_dma source(%dma_start3A_5 : memref<512xi32, #tpu.memory_space<hbm>>) target(%arg5 : memref<512xi32, #tpu.memory_space<vmem>>) target_semaphore(%arg11 : memref<!tpu.dma_semaphore, #tpu.memory_space<semaphore_mem>>)
    %add3A_6 = arith.constant 512 : i32
    %add3A_7 = arith.addi %mul3A_2, %add3A_6 : i32
    %dma_start3A_8 = tpu.memref_slice %arg2[%add3A_7] : memref<1638400xi32, #tpu.memory_space<hbm>> -> memref<512xi32, #tpu.memory_space<hbm>>
    %dma_start3A_9 = tpu.memref_slice %arg2[%add3A_7] : memref<1638400xi32, #tpu.memory_space<hbm>> -> memref<512xi32, #tpu.memory_space<hbm>>
    tpu.enqueue_dma source(%dma_start3A_9 : memref<512xi32, #tpu.memory_space<hbm>>) target(%arg6 : memref<512xi32, #tpu.memory_space<vmem>>) target_semaphore(%arg12 : memref<!tpu.dma_semaphore, #tpu.memory_space<semaphore_mem>>)
    %add3A_10 = arith.constant 1024 : i32
    %add3A_11 = arith.addi %mul3A_2, %add3A_10 : i32
    %dma_start3A_12 = tpu.memref_slice %arg2[%add3A_11] : memref<1638400xi32, #tpu.memory_space<hbm>> -> memref<512xi32, #tpu.memory_space<hbm>>
    %dma_start3A_13 = tpu.memref_slice %arg2[%add3A_11] : memref<1638400xi32, #tpu.memory_space<hbm>> -> memref<512xi32, #tpu.memory_space<hbm>>
    tpu.enqueue_dma source(%dma_start3A_13 : memref<512xi32, #tpu.memory_space<hbm>>) target(%arg7 : memref<512xi32, #tpu.memory_space<vmem>>) target_semaphore(%arg13 : memref<!tpu.dma_semaphore, #tpu.memory_space<semaphore_mem>>)
    %add3A_14 = arith.constant 1536 : i32
    %add3A_15 = arith.addi %mul3A_2, %add3A_14 : i32
    %dma_start3A_16 = tpu.memref_slice %arg2[%add3A_15] : memref<1638400xi32, #tpu.memory_space<hbm>> -> memref<512xi32, #tpu.memory_space<hbm>>
    %dma_start3A_17 = tpu.memref_slice %arg2[%add3A_15] : memref<1638400xi32, #tpu.memory_space<hbm>> -> memref<512xi32, #tpu.memory_space<hbm>>
    tpu.enqueue_dma source(%dma_start3A_17 : memref<512xi32, #tpu.memory_space<hbm>>) target(%arg8 : memref<512xi32, #tpu.memory_space<vmem>>) target_semaphore(%arg14 : memref<!tpu.dma_semaphore, #tpu.memory_space<semaphore_mem>>)
    %add3A_18 = arith.constant 0 : i32
    %add3A_19 = arith.addi %mul3A_2, %add3A_18 : i32
    %dma_wait3A = tpu.memref_slice %arg2[%add3A_19] : memref<1638400xi32, #tpu.memory_space<hbm>> -> memref<512xi32, #tpu.memory_space<hbm>>
    %dma_wait3A_20 = tpu.memref_slice %arg2[%add3A_19] : memref<1638400xi32, #tpu.memory_space<hbm>> -> memref<512xi32, #tpu.memory_space<hbm>>
    tpu.wait_dma2 semaphore(%arg11 : memref<!tpu.dma_semaphore, #tpu.memory_space<semaphore_mem>>) src(%dma_wait3A_20 : memref<512xi32, #tpu.memory_space<hbm>>) dst(%arg5 : memref<512xi32, #tpu.memory_space<vmem>>)
    %dma_start3A_21 = arith.constant 0 : i32
    %dma_start3A_22 = arith.constant 0 : i32
    %dma_start3A_23 = tpu.memref_slice %arg9[%dma_start3A_21, %dma_start3A_22] : memref<512x64xf32, #tpu.memory_space<vmem>> -> memref<128x64xf32, #tpu.memory_space<vmem>>
    %dma_start3A_24 = arith.constant 0 : i32
    %dma_start3A_25 = tpu.memref_slice %arg5[%dma_start3A_24] : memref<512xi32, #tpu.memory_space<vmem>> -> memref<128xi32, #tpu.memory_space<vmem>>
    %dma_start3A_26 = arith.constant 0 : i32
    %dma_start3A_27 = arith.constant 0 : i32
    %dma_start3A_28 = tpu.memref_slice %arg3[%dma_start3A_26, %dma_start3A_27] : memref<1000000x64xf32, #tpu.memory_space<hbm>> -> memref<1000000x64xf32, #tpu.memory_space<hbm>>
    tpu.enqueue_indirect_dma source(%dma_start3A_28 : memref<1000000x64xf32, #tpu.memory_space<hbm>>) target(%dma_start3A_23 : memref<128x64xf32, #tpu.memory_space<vmem>>) offsets(%dma_start3A_25 : memref<128xi32, #tpu.memory_space<vmem>>) semaphore(%arg15 : memref<!tpu.dma_semaphore, #tpu.memory_space<semaphore_mem>>)
    %dma_start3A_29 = arith.constant 128 : i32
    %dma_start3A_30 = arith.constant 0 : i32
    %dma_start3A_31 = tpu.memref_slice %arg9[%dma_start3A_29, %dma_start3A_30] : memref<512x64xf32, #tpu.memory_space<vmem>> -> memref<128x64xf32, #tpu.memory_space<vmem>>
    %dma_start3A_32 = arith.constant 128 : i32
    %dma_start3A_33 = tpu.memref_slice %arg5[%dma_start3A_32] : memref<512xi32, #tpu.memory_space<vmem>> -> memref<128xi32, #tpu.memory_space<vmem>>
    %dma_start3A_34 = arith.constant 0 : i32
    %dma_start3A_35 = arith.constant 0 : i32
    %dma_start3A_36 = tpu.memref_slice %arg3[%dma_start3A_34, %dma_start3A_35] : memref<1000000x64xf32, #tpu.memory_space<hbm>> -> memref<1000000x64xf32, #tpu.memory_space<hbm>>
    tpu.enqueue_indirect_dma source(%dma_start3A_36 : memref<1000000x64xf32, #tpu.memory_space<hbm>>) target(%dma_start3A_31 : memref<128x64xf32, #tpu.memory_space<vmem>>) offsets(%dma_start3A_33 : memref<128xi32, #tpu.memory_space<vmem>>) semaphore(%arg15 : memref<!tpu.dma_semaphore, #tpu.memory_space<semaphore_mem>>)
    %dma_start3A_37 = arith.constant 256 : i32
    %dma_start3A_38 = arith.constant 0 : i32
    %dma_start3A_39 = tpu.memref_slice %arg9[%dma_start3A_37, %dma_start3A_38] : memref<512x64xf32, #tpu.memory_space<vmem>> -> memref<128x64xf32, #tpu.memory_space<vmem>>
    %dma_start3A_40 = arith.constant 256 : i32
    %dma_start3A_41 = tpu.memref_slice %arg5[%dma_start3A_40] : memref<512xi32, #tpu.memory_space<vmem>> -> memref<128xi32, #tpu.memory_space<vmem>>
    %dma_start3A_42 = arith.constant 0 : i32
    %dma_start3A_43 = arith.constant 0 : i32
    %dma_start3A_44 = tpu.memref_slice %arg3[%dma_start3A_42, %dma_start3A_43] : memref<1000000x64xf32, #tpu.memory_space<hbm>> -> memref<1000000x64xf32, #tpu.memory_space<hbm>>
    tpu.enqueue_indirect_dma source(%dma_start3A_44 : memref<1000000x64xf32, #tpu.memory_space<hbm>>) target(%dma_start3A_39 : memref<128x64xf32, #tpu.memory_space<vmem>>) offsets(%dma_start3A_41 : memref<128xi32, #tpu.memory_space<vmem>>) semaphore(%arg15 : memref<!tpu.dma_semaphore, #tpu.memory_space<semaphore_mem>>)
    %dma_start3A_45 = arith.constant 384 : i32
    %dma_start3A_46 = arith.constant 0 : i32
    %dma_start3A_47 = tpu.memref_slice %arg9[%dma_start3A_45, %dma_start3A_46] : memref<512x64xf32, #tpu.memory_space<vmem>> -> memref<128x64xf32, #tpu.memory_space<vmem>>
    %dma_start3A_48 = arith.constant 384 : i32
    %dma_start3A_49 = tpu.memref_slice %arg5[%dma_start3A_48] : memref<512xi32, #tpu.memory_space<vmem>> -> memref<128xi32, #tpu.memory_space<vmem>>
    %dma_start3A_50 = arith.constant 0 : i32
    %dma_start3A_51 = arith.constant 0 : i32
    %dma_start3A_52 = tpu.memref_slice %arg3[%dma_start3A_50, %dma_start3A_51] : memref<1000000x64xf32, #tpu.memory_space<hbm>> -> memref<1000000x64xf32, #tpu.memory_space<hbm>>
    tpu.enqueue_indirect_dma source(%dma_start3A_52 : memref<1000000x64xf32, #tpu.memory_space<hbm>>) target(%dma_start3A_47 : memref<128x64xf32, #tpu.memory_space<vmem>>) offsets(%dma_start3A_49 : memref<128xi32, #tpu.memory_space<vmem>>) semaphore(%arg15 : memref<!tpu.dma_semaphore, #tpu.memory_space<semaphore_mem>>)
    %add3A_53 = arith.constant 512 : i32
    %add3A_54 = arith.addi %mul3A_2, %add3A_53 : i32
    %dma_wait3A_55 = tpu.memref_slice %arg2[%add3A_54] : memref<1638400xi32, #tpu.memory_space<hbm>> -> memref<512xi32, #tpu.memory_space<hbm>>
    %dma_wait3A_56 = tpu.memref_slice %arg2[%add3A_54] : memref<1638400xi32, #tpu.memory_space<hbm>> -> memref<512xi32, #tpu.memory_space<hbm>>
    tpu.wait_dma2 semaphore(%arg12 : memref<!tpu.dma_semaphore, #tpu.memory_space<semaphore_mem>>) src(%dma_wait3A_56 : memref<512xi32, #tpu.memory_space<hbm>>) dst(%arg6 : memref<512xi32, #tpu.memory_space<vmem>>)
    %dma_start3A_57 = arith.constant 0 : i32
    %dma_start3A_58 = arith.constant 0 : i32
    %dma_start3A_59 = tpu.memref_slice %arg10[%dma_start3A_57, %dma_start3A_58] : memref<512x64xf32, #tpu.memory_space<vmem>> -> memref<128x64xf32, #tpu.memory_space<vmem>>
    %dma_start3A_60 = arith.constant 0 : i32
    %dma_start3A_61 = tpu.memref_slice %arg6[%dma_start3A_60] : memref<512xi32, #tpu.memory_space<vmem>> -> memref<128xi32, #tpu.memory_space<vmem>>
    %dma_start3A_62 = arith.constant 0 : i32
    %dma_start3A_63 = arith.constant 0 : i32
    %dma_start3A_64 = tpu.memref_slice %arg3[%dma_start3A_62, %dma_start3A_63] : memref<1000000x64xf32, #tpu.memory_space<hbm>> -> memref<1000000x64xf32, #tpu.memory_space<hbm>>
    tpu.enqueue_indirect_dma source(%dma_start3A_64 : memref<1000000x64xf32, #tpu.memory_space<hbm>>) target(%dma_start3A_59 : memref<128x64xf32, #tpu.memory_space<vmem>>) offsets(%dma_start3A_61 : memref<128xi32, #tpu.memory_space<vmem>>) semaphore(%arg16 : memref<!tpu.dma_semaphore, #tpu.memory_space<semaphore_mem>>)
    %dma_start3A_65 = arith.constant 128 : i32
    %dma_start3A_66 = arith.constant 0 : i32
    %dma_start3A_67 = tpu.memref_slice %arg10[%dma_start3A_65, %dma_start3A_66] : memref<512x64xf32, #tpu.memory_space<vmem>> -> memref<128x64xf32, #tpu.memory_space<vmem>>
    %dma_start3A_68 = arith.constant 128 : i32
    %dma_start3A_69 = tpu.memref_slice %arg6[%dma_start3A_68] : memref<512xi32, #tpu.memory_space<vmem>> -> memref<128xi32, #tpu.memory_space<vmem>>
    %dma_start3A_70 = arith.constant 0 : i32
    %dma_start3A_71 = arith.constant 0 : i32
    %dma_start3A_72 = tpu.memref_slice %arg3[%dma_start3A_70, %dma_start3A_71] : memref<1000000x64xf32, #tpu.memory_space<hbm>> -> memref<1000000x64xf32, #tpu.memory_space<hbm>>
    tpu.enqueue_indirect_dma source(%dma_start3A_72 : memref<1000000x64xf32, #tpu.memory_space<hbm>>) target(%dma_start3A_67 : memref<128x64xf32, #tpu.memory_space<vmem>>) offsets(%dma_start3A_69 : memref<128xi32, #tpu.memory_space<vmem>>) semaphore(%arg16 : memref<!tpu.dma_semaphore, #tpu.memory_space<semaphore_mem>>)
    %dma_start3A_73 = arith.constant 256 : i32
    %dma_start3A_74 = arith.constant 0 : i32
    %dma_start3A_75 = tpu.memref_slice %arg10[%dma_start3A_73, %dma_start3A_74] : memref<512x64xf32, #tpu.memory_space<vmem>> -> memref<128x64xf32, #tpu.memory_space<vmem>>
    %dma_start3A_76 = arith.constant 256 : i32
    %dma_start3A_77 = tpu.memref_slice %arg6[%dma_start3A_76] : memref<512xi32, #tpu.memory_space<vmem>> -> memref<128xi32, #tpu.memory_space<vmem>>
    %dma_start3A_78 = arith.constant 0 : i32
    %dma_start3A_79 = arith.constant 0 : i32
    %dma_start3A_80 = tpu.memref_slice %arg3[%dma_start3A_78, %dma_start3A_79] : memref<1000000x64xf32, #tpu.memory_space<hbm>> -> memref<1000000x64xf32, #tpu.memory_space<hbm>>
    tpu.enqueue_indirect_dma source(%dma_start3A_80 : memref<1000000x64xf32, #tpu.memory_space<hbm>>) target(%dma_start3A_75 : memref<128x64xf32, #tpu.memory_space<vmem>>) offsets(%dma_start3A_77 : memref<128xi32, #tpu.memory_space<vmem>>) semaphore(%arg16 : memref<!tpu.dma_semaphore, #tpu.memory_space<semaphore_mem>>)
    %dma_start3A_81 = arith.constant 384 : i32
    %dma_start3A_82 = arith.constant 0 : i32
    %dma_start3A_83 = tpu.memref_slice %arg10[%dma_start3A_81, %dma_start3A_82] : memref<512x64xf32, #tpu.memory_space<vmem>> -> memref<128x64xf32, #tpu.memory_space<vmem>>
    %dma_start3A_84 = arith.constant 384 : i32
    %dma_start3A_85 = tpu.memref_slice %arg6[%dma_start3A_84] : memref<512xi32, #tpu.memory_space<vmem>> -> memref<128xi32, #tpu.memory_space<vmem>>
    %dma_start3A_86 = arith.constant 0 : i32
    %dma_start3A_87 = arith.constant 0 : i32
    %dma_start3A_88 = tpu.memref_slice %arg3[%dma_start3A_86, %dma_start3A_87] : memref<1000000x64xf32, #tpu.memory_space<hbm>> -> memref<1000000x64xf32, #tpu.memory_space<hbm>>
    tpu.enqueue_indirect_dma source(%dma_start3A_88 : memref<1000000x64xf32, #tpu.memory_space<hbm>>) target(%dma_start3A_83 : memref<128x64xf32, #tpu.memory_space<vmem>>) offsets(%dma_start3A_85 : memref<128xi32, #tpu.memory_space<vmem>>) semaphore(%arg16 : memref<!tpu.dma_semaphore, #tpu.memory_space<semaphore_mem>>)
    %scan3A = arith.constant 0 : i32
    %scan3A_89 = arith.constant 0 : i32
    %scan3A_90 = arith.constant 25 : i32
    %scan3A_91 = arith.addi %scan3A_89, %scan3A_90 : i32
    %scan3A_92 = arith.constant 1 : i32
    scf.for %scan3A_106 = %scan3A_89 to %scan3A_91 step %scan3A_92  : i32 {
      %mul3A_107 = arith.constant 4 : i32
      %mul3A_108 = arith.muli %scan3A_106, %mul3A_107 : i32
      %add3A_109 = arith.constant 0 : i32
      %add3A_110 = arith.addi %mul3A_108, %add3A_109 : i32
      %mul3A_111 = arith.constant 512 : i32
      %mul3A_112 = arith.muli %add3A_110, %mul3A_111 : i32
      %add3A_113 = arith.addi %mul3A_2, %mul3A_112 : i32
      %dma_wait3A_114 = arith.constant 0 : i32
      %dma_wait3A_115 = arith.constant 0 : i32
      %dma_wait3A_116 = tpu.memref_slice %arg9[%dma_wait3A_114, %dma_wait3A_115] : memref<512x64xf32, #tpu.memory_space<vmem>> -> memref<128x64xf32, #tpu.memory_space<vmem>>
      %dma_wait3A_117 = arith.constant 0 : i32
      %dma_wait3A_118 = tpu.memref_slice %arg5[%dma_wait3A_117] : memref<512xi32, #tpu.memory_space<vmem>> -> memref<128xi32, #tpu.memory_space<vmem>>
      %dma_wait3A_119 = arith.constant 0 : i32
      %dma_wait3A_120 = arith.constant 0 : i32
      %dma_wait3A_121 = tpu.memref_slice %arg3[%dma_wait3A_119, %dma_wait3A_120] : memref<1000000x64xf32, #tpu.memory_space<hbm>> -> memref<1000000x64xf32, #tpu.memory_space<hbm>>
      tpu.wait_indirect_dma semaphore(%arg15 : memref<!tpu.dma_semaphore, #tpu.memory_space<semaphore_mem>>) src(%dma_wait3A_121 : memref<1000000x64xf32, #tpu.memory_space<hbm>>) dst(%dma_wait3A_116 : memref<128x64xf32, #tpu.memory_space<vmem>>)
      %dma_wait3A_122 = arith.constant 128 : i32
      %dma_wait3A_123 = arith.constant 0 : i32
      %dma_wait3A_124 = tpu.memref_slice %arg9[%dma_wait3A_122, %dma_wait3A_123] : memref<512x64xf32, #tpu.memory_space<vmem>> -> memref<128x64xf32, #tpu.memory_space<vmem>>
      %dma_wait3A_125 = arith.constant 128 : i32
      %dma_wait3A_126 = tpu.memref_slice %arg5[%dma_wait3A_125] : memref<512xi32, #tpu.memory_space<vmem>> -> memref<128xi32, #tpu.memory_space<vmem>>
      %dma_wait3A_127 = arith.constant 0 : i32
      %dma_wait3A_128 = arith.constant 0 : i32
      %dma_wait3A_129 = tpu.memref_slice %arg3[%dma_wait3A_127, %dma_wait3A_128] : memref<1000000x64xf32, #tpu.memory_space<hbm>> -> memref<1000000x64xf32, #tpu.memory_space<hbm>>
      tpu.wait_indirect_dma semaphore(%arg15 : memref<!tpu.dma_semaphore, #tpu.memory_space<semaphore_mem>>) src(%dma_wait3A_129 : memref<1000000x64xf32, #tpu.memory_space<hbm>>) dst(%dma_wait3A_124 : memref<128x64xf32, #tpu.memory_space<vmem>>)
      %dma_wait3A_130 = arith.constant 256 : i32
      %dma_wait3A_131 = arith.constant 0 : i32
      %dma_wait3A_132 = tpu.memref_slice %arg9[%dma_wait3A_130, %dma_wait3A_131] : memref<512x64xf32, #tpu.memory_space<vmem>> -> memref<128x64xf32, #tpu.memory_space<vmem>>
      %dma_wait3A_133 = arith.constant 256 : i32
      %dma_wait3A_134 = tpu.memref_slice %arg5[%dma_wait3A_133] : memref<512xi32, #tpu.memory_space<vmem>> -> memref<128xi32, #tpu.memory_space<vmem>>
      %dma_wait3A_135 = arith.constant 0 : i32
      %dma_wait3A_136 = arith.constant 0 : i32
      %dma_wait3A_137 = tpu.memref_slice %arg3[%dma_wait3A_135, %dma_wait3A_136] : memref<1000000x64xf32, #tpu.memory_space<hbm>> -> memref<1000000x64xf32, #tpu.memory_space<hbm>>
      tpu.wait_indirect_dma semaphore(%arg15 : memref<!tpu.dma_semaphore, #tpu.memory_space<semaphore_mem>>) src(%dma_wait3A_137 : memref<1000000x64xf32, #tpu.memory_space<hbm>>) dst(%dma_wait3A_132 : memref<128x64xf32, #tpu.memory_space<vmem>>)
      %dma_wait3A_138 = arith.constant 384 : i32
      %dma_wait3A_139 = arith.constant 0 : i32
      %dma_wait3A_140 = tpu.memref_slice %arg9[%dma_wait3A_138, %dma_wait3A_139] : memref<512x64xf32, #tpu.memory_space<vmem>> -> memref<128x64xf32, #tpu.memory_space<vmem>>
      %dma_wait3A_141 = arith.constant 384 : i32
      %dma_wait3A_142 = tpu.memref_slice %arg5[%dma_wait3A_141] : memref<512xi32, #tpu.memory_space<vmem>> -> memref<128xi32, #tpu.memory_space<vmem>>
      %dma_wait3A_143 = arith.constant 0 : i32
      %dma_wait3A_144 = arith.constant 0 : i32
      %dma_wait3A_145 = tpu.memref_slice %arg3[%dma_wait3A_143, %dma_wait3A_144] : memref<1000000x64xf32, #tpu.memory_space<hbm>> -> memref<1000000x64xf32, #tpu.memory_space<hbm>>
      tpu.wait_indirect_dma semaphore(%arg15 : memref<!tpu.dma_semaphore, #tpu.memory_space<semaphore_mem>>) src(%dma_wait3A_145 : memref<1000000x64xf32, #tpu.memory_space<hbm>>) dst(%dma_wait3A_140 : memref<128x64xf32, #tpu.memory_space<vmem>>)
      %dma_start3A_146 = arith.constant 0 : i32
      %dma_start3A_147 = tpu.memref_slice %arg4[%add3A_113, %dma_start3A_146] : memref<1638400x64xf32, #tpu.memory_space<hbm>> -> memref<512x64xf32, #tpu.memory_space<hbm>>
      %dma_start3A_148 = arith.constant 0 : i32
      %dma_start3A_149 = tpu.memref_slice %arg4[%add3A_113, %dma_start3A_148] : memref<1638400x64xf32, #tpu.memory_space<hbm>> -> memref<512x64xf32, #tpu.memory_space<hbm>>
      tpu.enqueue_dma source(%arg9 : memref<512x64xf32, #tpu.memory_space<vmem>>) target(%dma_start3A_149 : memref<512x64xf32, #tpu.memory_space<hbm>>) target_semaphore(%arg17 : memref<!tpu.dma_semaphore, #tpu.memory_space<semaphore_mem>>)
      %add3A_150 = arith.constant 4 : i32
      %add3A_151 = arith.addi %add3A_110, %add3A_150 : i32
      %lt3A = arith.constant 100 : i32
      %lt3A_152 = arith.cmpi slt, %add3A_151, %lt3A : i32
      %convert_element_type3A = arith.extui %lt3A_152 : i1 to i32
      %cond3A = arith.constant 0 : i32
      %cond3A_153 = arith.cmpi ne, %convert_element_type3A, %cond3A : i32
      scf.if %cond3A_153 {
        %add3A_332 = arith.constant 2048 : i32
        %add3A_333 = arith.addi %add3A_113, %add3A_332 : i32
        %dma_start3A_334 = tpu.memref_slice %arg2[%add3A_333] : memref<1638400xi32, #tpu.memory_space<hbm>> -> memref<512xi32, #tpu.memory_space<hbm>>
        %dma_start3A_335 = tpu.memref_slice %arg2[%add3A_333] : memref<1638400xi32, #tpu.memory_space<hbm>> -> memref<512xi32, #tpu.memory_space<hbm>>
        tpu.enqueue_dma source(%dma_start3A_335 : memref<512xi32, #tpu.memory_space<hbm>>) target(%arg5 : memref<512xi32, #tpu.memory_space<vmem>>) target_semaphore(%arg11 : memref<!tpu.dma_semaphore, #tpu.memory_space<semaphore_mem>>)
      } else {
      }
      %add3A_154 = arith.constant 2 : i32
      %add3A_155 = arith.addi %add3A_110, %add3A_154 : i32
      %lt3A_156 = arith.constant 100 : i32
      %lt3A_157 = arith.cmpi slt, %add3A_155, %lt3A_156 : i32
      %convert_element_type3A_158 = arith.extui %lt3A_157 : i1 to i32
      %cond3A_159 = arith.constant 0 : i32
      %cond3A_160 = arith.cmpi ne, %convert_element_type3A_158, %cond3A_159 : i32
      scf.if %cond3A_160 {
        %dma_wait3A_332 = arith.constant 0 : i32
        %dma_wait3A_333 = tpu.memref_slice %arg4[%add3A_113, %dma_wait3A_332] : memref<1638400x64xf32, #tpu.memory_space<hbm>> -> memref<512x64xf32, #tpu.memory_space<hbm>>
        %dma_wait3A_334 = arith.constant 0 : i32
        %dma_wait3A_335 = tpu.memref_slice %arg4[%add3A_113, %dma_wait3A_334] : memref<1638400x64xf32, #tpu.memory_space<hbm>> -> memref<512x64xf32, #tpu.memory_space<hbm>>
        tpu.wait_dma2 semaphore(%arg17 : memref<!tpu.dma_semaphore, #tpu.memory_space<semaphore_mem>>) src(%arg9 : memref<512x64xf32, #tpu.memory_space<vmem>>) dst(%dma_wait3A_335 : memref<512x64xf32, #tpu.memory_space<hbm>>)
        %add3A_336 = arith.constant 1024 : i32
        %add3A_337 = arith.addi %add3A_113, %add3A_336 : i32
        %dma_wait3A_338 = tpu.memref_slice %arg2[%add3A_337] : memref<1638400xi32, #tpu.memory_space<hbm>> -> memref<512xi32, #tpu.memory_space<hbm>>
        %dma_wait3A_339 = tpu.memref_slice %arg2[%add3A_337] : memref<1638400xi32, #tpu.memory_space<hbm>> -> memref<512xi32, #tpu.memory_space<hbm>>
        tpu.wait_dma2 semaphore(%arg13 : memref<!tpu.dma_semaphore, #tpu.memory_space<semaphore_mem>>) src(%dma_wait3A_339 : memref<512xi32, #tpu.memory_space<hbm>>) dst(%arg7 : memref<512xi32, #tpu.memory_space<vmem>>)
        %dma_start3A_340 = arith.constant 0 : i32
        %dma_start3A_341 = arith.constant 0 : i32
        %dma_start3A_342 = tpu.memref_slice %arg9[%dma_start3A_340, %dma_start3A_341] : memref<512x64xf32, #tpu.memory_space<vmem>> -> memref<128x64xf32, #tpu.memory_space<vmem>>
        %dma_start3A_343 = arith.constant 0 : i32
        %dma_start3A_344 = tpu.memref_slice %arg7[%dma_start3A_343] : memref<512xi32, #tpu.memory_space<vmem>> -> memref<128xi32, #tpu.memory_space<vmem>>
        %dma_start3A_345 = arith.constant 0 : i32
        %dma_start3A_346 = arith.constant 0 : i32
        %dma_start3A_347 = tpu.memref_slice %arg3[%dma_start3A_345, %dma_start3A_346] : memref<1000000x64xf32, #tpu.memory_space<hbm>> -> memref<1000000x64xf32, #tpu.memory_space<hbm>>
        tpu.enqueue_indirect_dma source(%dma_start3A_347 : memref<1000000x64xf32, #tpu.memory_space<hbm>>) target(%dma_start3A_342 : memref<128x64xf32, #tpu.memory_space<vmem>>) offsets(%dma_start3A_344 : memref<128xi32, #tpu.memory_space<vmem>>) semaphore(%arg15 : memref<!tpu.dma_semaphore, #tpu.memory_space<semaphore_mem>>)
        %dma_start3A_348 = arith.constant 128 : i32
        %dma_start3A_349 = arith.constant 0 : i32
        %dma_start3A_350 = tpu.memref_slice %arg9[%dma_start3A_348, %dma_start3A_349] : memref<512x64xf32, #tpu.memory_space<vmem>> -> memref<128x64xf32, #tpu.memory_space<vmem>>
        %dma_start3A_351 = arith.constant 128 : i32
        %dma_start3A_352 = tpu.memref_slice %arg7[%dma_start3A_351] : memref<512xi32, #tpu.memory_space<vmem>> -> memref<128xi32, #tpu.memory_space<vmem>>
        %dma_start3A_353 = arith.constant 0 : i32
        %dma_start3A_354 = arith.constant 0 : i32
        %dma_start3A_355 = tpu.memref_slice %arg3[%dma_start3A_353, %dma_start3A_354] : memref<1000000x64xf32, #tpu.memory_space<hbm>> -> memref<1000000x64xf32, #tpu.memory_space<hbm>>
        tpu.enqueue_indirect_dma source(%dma_start3A_355 : memref<1000000x64xf32, #tpu.memory_space<hbm>>) target(%dma_start3A_350 : memref<128x64xf32, #tpu.memory_space<vmem>>) offsets(%dma_start3A_352 : memref<128xi32, #tpu.memory_space<vmem>>) semaphore(%arg15 : memref<!tpu.dma_semaphore, #tpu.memory_space<semaphore_mem>>)
        %dma_start3A_356 = arith.constant 256 : i32
        %dma_start3A_357 = arith.constant 0 : i32
        %dma_start3A_358 = tpu.memref_slice %arg9[%dma_start3A_356, %dma_start3A_357] : memref<512x64xf32, #tpu.memory_space<vmem>> -> memref<128x64xf32, #tpu.memory_space<vmem>>
        %dma_start3A_359 = arith.constant 256 : i32
        %dma_start3A_360 = tpu.memref_slice %arg7[%dma_start3A_359] : memref<512xi32, #tpu.memory_space<vmem>> -> memref<128xi32, #tpu.memory_space<vmem>>
        %dma_start3A_361 = arith.constant 0 : i32
        %dma_start3A_362 = arith.constant 0 : i32
        %dma_start3A_363 = tpu.memref_slice %arg3[%dma_start3A_361, %dma_start3A_362] : memref<1000000x64xf32, #tpu.memory_space<hbm>> -> memref<1000000x64xf32, #tpu.memory_space<hbm>>
        tpu.enqueue_indirect_dma source(%dma_start3A_363 : memref<1000000x64xf32, #tpu.memory_space<hbm>>) target(%dma_start3A_358 : memref<128x64xf32, #tpu.memory_space<vmem>>) offsets(%dma_start3A_360 : memref<128xi32, #tpu.memory_space<vmem>>) semaphore(%arg15 : memref<!tpu.dma_semaphore, #tpu.memory_space<semaphore_mem>>)
        %dma_start3A_364 = arith.constant 384 : i32
        %dma_start3A_365 = arith.constant 0 : i32
        %dma_start3A_366 = tpu.memref_slice %arg9[%dma_start3A_364, %dma_start3A_365] : memref<512x64xf32, #tpu.memory_space<vmem>> -> memref<128x64xf32, #tpu.memory_space<vmem>>
        %dma_start3A_367 = arith.constant 384 : i32
        %dma_start3A_368 = tpu.memref_slice %arg7[%dma_start3A_367] : memref<512xi32, #tpu.memory_space<vmem>> -> memref<128xi32, #tpu.memory_space<vmem>>
        %dma_start3A_369 = arith.constant 0 : i32
        %dma_start3A_370 = arith.constant 0 : i32
        %dma_start3A_371 = tpu.memref_slice %arg3[%dma_start3A_369, %dma_start3A_370] : memref<1000000x64xf32, #tpu.memory_space<hbm>> -> memref<1000000x64xf32, #tpu.memory_space<hbm>>
        tpu.enqueue_indirect_dma source(%dma_start3A_371 : memref<1000000x64xf32, #tpu.memory_space<hbm>>) target(%dma_start3A_366 : memref<128x64xf32, #tpu.memory_space<vmem>>) offsets(%dma_start3A_368 : memref<128xi32, #tpu.memory_space<vmem>>) semaphore(%arg15 : memref<!tpu.dma_semaphore, #tpu.memory_space<semaphore_mem>>)
      } else {
      }
      %mul3A_161 = arith.constant 4 : i32
      %mul3A_162 = arith.muli %scan3A_106, %mul3A_161 : i32
      %add3A_163 = arith.constant 1 : i32
      %add3A_164 = arith.addi %mul3A_162, %add3A_163 : i32
      %mul3A_165 = arith.constant 512 : i32
      %mul3A_166 = arith.muli %add3A_164, %mul3A_165 : i32
      %add3A_167 = arith.addi %mul3A_2, %mul3A_166 : i32
      %dma_wait3A_168 = arith.constant 0 : i32
      %dma_wait3A_169 = arith.constant 0 : i32
      %dma_wait3A_170 = tpu.memref_slice %arg10[%dma_wait3A_168, %dma_wait3A_169] : memref<512x64xf32, #tpu.memory_space<vmem>> -> memref<128x64xf32, #tpu.memory_space<vmem>>
      %dma_wait3A_171 = arith.constant 0 : i32
      %dma_wait3A_172 = tpu.memref_slice %arg6[%dma_wait3A_171] : memref<512xi32, #tpu.memory_space<vmem>> -> memref<128xi32, #tpu.memory_space<vmem>>
      %dma_wait3A_173 = arith.constant 0 : i32
      %dma_wait3A_174 = arith.constant 0 : i32
      %dma_wait3A_175 = tpu.memref_slice %arg3[%dma_wait3A_173, %dma_wait3A_174] : memref<1000000x64xf32, #tpu.memory_space<hbm>> -> memref<1000000x64xf32, #tpu.memory_space<hbm>>
      tpu.wait_indirect_dma semaphore(%arg16 : memref<!tpu.dma_semaphore, #tpu.memory_space<semaphore_mem>>) src(%dma_wait3A_175 : memref<1000000x64xf32, #tpu.memory_space<hbm>>) dst(%dma_wait3A_170 : memref<128x64xf32, #tpu.memory_space<vmem>>)
      %dma_wait3A_176 = arith.constant 128 : i32
      %dma_wait3A_177 = arith.constant 0 : i32
      %dma_wait3A_178 = tpu.memref_slice %arg10[%dma_wait3A_176, %dma_wait3A_177] : memref<512x64xf32, #tpu.memory_space<vmem>> -> memref<128x64xf32, #tpu.memory_space<vmem>>
      %dma_wait3A_179 = arith.constant 128 : i32
      %dma_wait3A_180 = tpu.memref_slice %arg6[%dma_wait3A_179] : memref<512xi32, #tpu.memory_space<vmem>> -> memref<128xi32, #tpu.memory_space<vmem>>
      %dma_wait3A_181 = arith.constant 0 : i32
      %dma_wait3A_182 = arith.constant 0 : i32
      %dma_wait3A_183 = tpu.memref_slice %arg3[%dma_wait3A_181, %dma_wait3A_182] : memref<1000000x64xf32, #tpu.memory_space<hbm>> -> memref<1000000x64xf32, #tpu.memory_space<hbm>>
      tpu.wait_indirect_dma semaphore(%arg16 : memref<!tpu.dma_semaphore, #tpu.memory_space<semaphore_mem>>) src(%dma_wait3A_183 : memref<1000000x64xf32, #tpu.memory_space<hbm>>) dst(%dma_wait3A_178 : memref<128x64xf32, #tpu.memory_space<vmem>>)
      %dma_wait3A_184 = arith.constant 256 : i32
      %dma_wait3A_185 = arith.constant 0 : i32
      %dma_wait3A_186 = tpu.memref_slice %arg10[%dma_wait3A_184, %dma_wait3A_185] : memref<512x64xf32, #tpu.memory_space<vmem>> -> memref<128x64xf32, #tpu.memory_space<vmem>>
      %dma_wait3A_187 = arith.constant 256 : i32
      %dma_wait3A_188 = tpu.memref_slice %arg6[%dma_wait3A_187] : memref<512xi32, #tpu.memory_space<vmem>> -> memref<128xi32, #tpu.memory_space<vmem>>
      %dma_wait3A_189 = arith.constant 0 : i32
      %dma_wait3A_190 = arith.constant 0 : i32
      %dma_wait3A_191 = tpu.memref_slice %arg3[%dma_wait3A_189, %dma_wait3A_190] : memref<1000000x64xf32, #tpu.memory_space<hbm>> -> memref<1000000x64xf32, #tpu.memory_space<hbm>>
      tpu.wait_indirect_dma semaphore(%arg16 : memref<!tpu.dma_semaphore, #tpu.memory_space<semaphore_mem>>) src(%dma_wait3A_191 : memref<1000000x64xf32, #tpu.memory_space<hbm>>) dst(%dma_wait3A_186 : memref<128x64xf32, #tpu.memory_space<vmem>>)
      %dma_wait3A_192 = arith.constant 384 : i32
      %dma_wait3A_193 = arith.constant 0 : i32
      %dma_wait3A_194 = tpu.memref_slice %arg10[%dma_wait3A_192, %dma_wait3A_193] : memref<512x64xf32, #tpu.memory_space<vmem>> -> memref<128x64xf32, #tpu.memory_space<vmem>>
      %dma_wait3A_195 = arith.constant 384 : i32
      %dma_wait3A_196 = tpu.memref_slice %arg6[%dma_wait3A_195] : memref<512xi32, #tpu.memory_space<vmem>> -> memref<128xi32, #tpu.memory_space<vmem>>
      %dma_wait3A_197 = arith.constant 0 : i32
      %dma_wait3A_198 = arith.constant 0 : i32
      %dma_wait3A_199 = tpu.memref_slice %arg3[%dma_wait3A_197, %dma_wait3A_198] : memref<1000000x64xf32, #tpu.memory_space<hbm>> -> memref<1000000x64xf32, #tpu.memory_space<hbm>>
      tpu.wait_indirect_dma semaphore(%arg16 : memref<!tpu.dma_semaphore, #tpu.memory_space<semaphore_mem>>) src(%dma_wait3A_199 : memref<1000000x64xf32, #tpu.memory_space<hbm>>) dst(%dma_wait3A_194 : memref<128x64xf32, #tpu.memory_space<vmem>>)
      %dma_start3A_200 = arith.constant 0 : i32
      %dma_start3A_201 = tpu.memref_slice %arg4[%add3A_167, %dma_start3A_200] : memref<1638400x64xf32, #tpu.memory_space<hbm>> -> memref<512x64xf32, #tpu.memory_space<hbm>>
      %dma_start3A_202 = arith.constant 0 : i32
      %dma_start3A_203 = tpu.memref_slice %arg4[%add3A_167, %dma_start3A_202] : memref<1638400x64xf32, #tpu.memory_space<hbm>> -> memref<512x64xf32, #tpu.memory_space<hbm>>
      tpu.enqueue_dma source(%arg10 : memref<512x64xf32, #tpu.memory_space<vmem>>) target(%dma_start3A_203 : memref<512x64xf32, #tpu.memory_space<hbm>>) target_semaphore(%arg18 : memref<!tpu.dma_semaphore, #tpu.memory_space<semaphore_mem>>)
      %add3A_204 = arith.constant 4 : i32
      %add3A_205 = arith.addi %add3A_164, %add3A_204 : i32
      %lt3A_206 = arith.constant 100 : i32
      %lt3A_207 = arith.cmpi slt, %add3A_205, %lt3A_206 : i32
      %convert_element_type3A_208 = arith.extui %lt3A_207 : i1 to i32
      %cond3A_209 = arith.constant 0 : i32
      %cond3A_210 = arith.cmpi ne, %convert_element_type3A_208, %cond3A_209 : i32
      scf.if %cond3A_210 {
        %add3A_332 = arith.constant 2048 : i32
        %add3A_333 = arith.addi %add3A_167, %add3A_332 : i32
        %dma_start3A_334 = tpu.memref_slice %arg2[%add3A_333] : memref<1638400xi32, #tpu.memory_space<hbm>> -> memref<512xi32, #tpu.memory_space<hbm>>
        %dma_start3A_335 = tpu.memref_slice %arg2[%add3A_333] : memref<1638400xi32, #tpu.memory_space<hbm>> -> memref<512xi32, #tpu.memory_space<hbm>>
        tpu.enqueue_dma source(%dma_start3A_335 : memref<512xi32, #tpu.memory_space<hbm>>) target(%arg6 : memref<512xi32, #tpu.memory_space<vmem>>) target_semaphore(%arg12 : memref<!tpu.dma_semaphore, #tpu.memory_space<semaphore_mem>>)
      } else {
      }
      %add3A_211 = arith.constant 2 : i32
      %add3A_212 = arith.addi %add3A_164, %add3A_211 : i32
      %lt3A_213 = arith.constant 100 : i32
      %lt3A_214 = arith.cmpi slt, %add3A_212, %lt3A_213 : i32
      %convert_element_type3A_215 = arith.extui %lt3A_214 : i1 to i32
      %cond3A_216 = arith.constant 0 : i32
      %cond3A_217 = arith.cmpi ne, %convert_element_type3A_215, %cond3A_216 : i32
      scf.if %cond3A_217 {
        %dma_wait3A_332 = arith.constant 0 : i32
        %dma_wait3A_333 = tpu.memref_slice %arg4[%add3A_167, %dma_wait3A_332] : memref<1638400x64xf32, #tpu.memory_space<hbm>> -> memref<512x64xf32, #tpu.memory_space<hbm>>
        %dma_wait3A_334 = arith.constant 0 : i32
        %dma_wait3A_335 = tpu.memref_slice %arg4[%add3A_167, %dma_wait3A_334] : memref<1638400x64xf32, #tpu.memory_space<hbm>> -> memref<512x64xf32, #tpu.memory_space<hbm>>
        tpu.wait_dma2 semaphore(%arg18 : memref<!tpu.dma_semaphore, #tpu.memory_space<semaphore_mem>>) src(%arg10 : memref<512x64xf32, #tpu.memory_space<vmem>>) dst(%dma_wait3A_335 : memref<512x64xf32, #tpu.memory_space<hbm>>)
        %add3A_336 = arith.constant 1024 : i32
        %add3A_337 = arith.addi %add3A_167, %add3A_336 : i32
        %dma_wait3A_338 = tpu.memref_slice %arg2[%add3A_337] : memref<1638400xi32, #tpu.memory_space<hbm>> -> memref<512xi32, #tpu.memory_space<hbm>>
        %dma_wait3A_339 = tpu.memref_slice %arg2[%add3A_337] : memref<1638400xi32, #tpu.memory_space<hbm>> -> memref<512xi32, #tpu.memory_space<hbm>>
        tpu.wait_dma2 semaphore(%arg14 : memref<!tpu.dma_semaphore, #tpu.memory_space<semaphore_mem>>) src(%dma_wait3A_339 : memref<512xi32, #tpu.memory_space<hbm>>) dst(%arg8 : memref<512xi32, #tpu.memory_space<vmem>>)
        %dma_start3A_340 = arith.constant 0 : i32
        %dma_start3A_341 = arith.constant 0 : i32
        %dma_start3A_342 = tpu.memref_slice %arg10[%dma_start3A_340, %dma_start3A_341] : memref<512x64xf32, #tpu.memory_space<vmem>> -> memref<128x64xf32, #tpu.memory_space<vmem>>
        %dma_start3A_343 = arith.constant 0 : i32
        %dma_start3A_344 = tpu.memref_slice %arg8[%dma_start3A_343] : memref<512xi32, #tpu.memory_space<vmem>> -> memref<128xi32, #tpu.memory_space<vmem>>
        %dma_start3A_345 = arith.constant 0 : i32
        %dma_start3A_346 = arith.constant 0 : i32
        %dma_start3A_347 = tpu.memref_slice %arg3[%dma_start3A_345, %dma_start3A_346] : memref<1000000x64xf32, #tpu.memory_space<hbm>> -> memref<1000000x64xf32, #tpu.memory_space<hbm>>
        tpu.enqueue_indirect_dma source(%dma_start3A_347 : memref<1000000x64xf32, #tpu.memory_space<hbm>>) target(%dma_start3A_342 : memref<128x64xf32, #tpu.memory_space<vmem>>) offsets(%dma_start3A_344 : memref<128xi32, #tpu.memory_space<vmem>>) semaphore(%arg16 : memref<!tpu.dma_semaphore, #tpu.memory_space<semaphore_mem>>)
        %dma_start3A_348 = arith.constant 128 : i32
        %dma_start3A_349 = arith.constant 0 : i32
        %dma_start3A_350 = tpu.memref_slice %arg10[%dma_start3A_348, %dma_start3A_349] : memref<512x64xf32, #tpu.memory_space<vmem>> -> memref<128x64xf32, #tpu.memory_space<vmem>>
        %dma_start3A_351 = arith.constant 128 : i32
        %dma_start3A_352 = tpu.memref_slice %arg8[%dma_start3A_351] : memref<512xi32, #tpu.memory_space<vmem>> -> memref<128xi32, #tpu.memory_space<vmem>>
        %dma_start3A_353 = arith.constant 0 : i32
        %dma_start3A_354 = arith.constant 0 : i32
        %dma_start3A_355 = tpu.memref_slice %arg3[%dma_start3A_353, %dma_start3A_354] : memref<1000000x64xf32, #tpu.memory_space<hbm>> -> memref<1000000x64xf32, #tpu.memory_space<hbm>>
        tpu.enqueue_indirect_dma source(%dma_start3A_355 : memref<1000000x64xf32, #tpu.memory_space<hbm>>) target(%dma_start3A_350 : memref<128x64xf32, #tpu.memory_space<vmem>>) offsets(%dma_start3A_352 : memref<128xi32, #tpu.memory_space<vmem>>) semaphore(%arg16 : memref<!tpu.dma_semaphore, #tpu.memory_space<semaphore_mem>>)
        %dma_start3A_356 = arith.constant 256 : i32
        %dma_start3A_357 = arith.constant 0 : i32
        %dma_start3A_358 = tpu.memref_slice %arg10[%dma_start3A_356, %dma_start3A_357] : memref<512x64xf32, #tpu.memory_space<vmem>> -> memref<128x64xf32, #tpu.memory_space<vmem>>
        %dma_start3A_359 = arith.constant 256 : i32
        %dma_start3A_360 = tpu.memref_slice %arg8[%dma_start3A_359] : memref<512xi32, #tpu.memory_space<vmem>> -> memref<128xi32, #tpu.memory_space<vmem>>
        %dma_start3A_361 = arith.constant 0 : i32
        %dma_start3A_362 = arith.constant 0 : i32
        %dma_start3A_363 = tpu.memref_slice %arg3[%dma_start3A_361, %dma_start3A_362] : memref<1000000x64xf32, #tpu.memory_space<hbm>> -> memref<1000000x64xf32, #tpu.memory_space<hbm>>
        tpu.enqueue_indirect_dma source(%dma_start3A_363 : memref<1000000x64xf32, #tpu.memory_space<hbm>>) target(%dma_start3A_358 : memref<128x64xf32, #tpu.memory_space<vmem>>) offsets(%dma_start3A_360 : memref<128xi32, #tpu.memory_space<vmem>>) semaphore(%arg16 : memref<!tpu.dma_semaphore, #tpu.memory_space<semaphore_mem>>)
        %dma_start3A_364 = arith.constant 384 : i32
        %dma_start3A_365 = arith.constant 0 : i32
        %dma_start3A_366 = tpu.memref_slice %arg10[%dma_start3A_364, %dma_start3A_365] : memref<512x64xf32, #tpu.memory_space<vmem>> -> memref<128x64xf32, #tpu.memory_space<vmem>>
        %dma_start3A_367 = arith.constant 384 : i32
        %dma_start3A_368 = tpu.memref_slice %arg8[%dma_start3A_367] : memref<512xi32, #tpu.memory_space<vmem>> -> memref<128xi32, #tpu.memory_space<vmem>>
        %dma_start3A_369 = arith.constant 0 : i32
        %dma_start3A_370 = arith.constant 0 : i32
        %dma_start3A_371 = tpu.memref_slice %arg3[%dma_start3A_369, %dma_start3A_370] : memref<1000000x64xf32, #tpu.memory_space<hbm>> -> memref<1000000x64xf32, #tpu.memory_space<hbm>>
        tpu.enqueue_indirect_dma source(%dma_start3A_371 : memref<1000000x64xf32, #tpu.memory_space<hbm>>) target(%dma_start3A_366 : memref<128x64xf32, #tpu.memory_space<vmem>>) offsets(%dma_start3A_368 : memref<128xi32, #tpu.memory_space<vmem>>) semaphore(%arg16 : memref<!tpu.dma_semaphore, #tpu.memory_space<semaphore_mem>>)
      } else {
      }
      %mul3A_218 = arith.constant 4 : i32
      %mul3A_219 = arith.muli %scan3A_106, %mul3A_218 : i32
      %add3A_220 = arith.constant 2 : i32
      %add3A_221 = arith.addi %mul3A_219, %add3A_220 : i32
      %mul3A_222 = arith.constant 512 : i32
      %mul3A_223 = arith.muli %add3A_221, %mul3A_222 : i32
      %add3A_224 = arith.addi %mul3A_2, %mul3A_223 : i32
      %dma_wait3A_225 = arith.constant 0 : i32
      %dma_wait3A_226 = arith.constant 0 : i32
      %dma_wait3A_227 = tpu.memref_slice %arg9[%dma_wait3A_225, %dma_wait3A_226] : memref<512x64xf32, #tpu.memory_space<vmem>> -> memref<128x64xf32, #tpu.memory_space<vmem>>
      %dma_wait3A_228 = arith.constant 0 : i32
      %dma_wait3A_229 = tpu.memref_slice %arg7[%dma_wait3A_228] : memref<512xi32, #tpu.memory_space<vmem>> -> memref<128xi32, #tpu.memory_space<vmem>>
      %dma_wait3A_230 = arith.constant 0 : i32
      %dma_wait3A_231 = arith.constant 0 : i32
      %dma_wait3A_232 = tpu.memref_slice %arg3[%dma_wait3A_230, %dma_wait3A_231] : memref<1000000x64xf32, #tpu.memory_space<hbm>> -> memref<1000000x64xf32, #tpu.memory_space<hbm>>
      tpu.wait_indirect_dma semaphore(%arg15 : memref<!tpu.dma_semaphore, #tpu.memory_space<semaphore_mem>>) src(%dma_wait3A_232 : memref<1000000x64xf32, #tpu.memory_space<hbm>>) dst(%dma_wait3A_227 : memref<128x64xf32, #tpu.memory_space<vmem>>)
      %dma_wait3A_233 = arith.constant 128 : i32
      %dma_wait3A_234 = arith.constant 0 : i32
      %dma_wait3A_235 = tpu.memref_slice %arg9[%dma_wait3A_233, %dma_wait3A_234] : memref<512x64xf32, #tpu.memory_space<vmem>> -> memref<128x64xf32, #tpu.memory_space<vmem>>
      %dma_wait3A_236 = arith.constant 128 : i32
      %dma_wait3A_237 = tpu.memref_slice %arg7[%dma_wait3A_236] : memref<512xi32, #tpu.memory_space<vmem>> -> memref<128xi32, #tpu.memory_space<vmem>>
      %dma_wait3A_238 = arith.constant 0 : i32
      %dma_wait3A_239 = arith.constant 0 : i32
      %dma_wait3A_240 = tpu.memref_slice %arg3[%dma_wait3A_238, %dma_wait3A_239] : memref<1000000x64xf32, #tpu.memory_space<hbm>> -> memref<1000000x64xf32, #tpu.memory_space<hbm>>
      tpu.wait_indirect_dma semaphore(%arg15 : memref<!tpu.dma_semaphore, #tpu.memory_space<semaphore_mem>>) src(%dma_wait3A_240 : memref<1000000x64xf32, #tpu.memory_space<hbm>>) dst(%dma_wait3A_235 : memref<128x64xf32, #tpu.memory_space<vmem>>)
      %dma_wait3A_241 = arith.constant 256 : i32
      %dma_wait3A_242 = arith.constant 0 : i32
      %dma_wait3A_243 = tpu.memref_slice %arg9[%dma_wait3A_241, %dma_wait3A_242] : memref<512x64xf32, #tpu.memory_space<vmem>> -> memref<128x64xf32, #tpu.memory_space<vmem>>
      %dma_wait3A_244 = arith.constant 256 : i32
      %dma_wait3A_245 = tpu.memref_slice %arg7[%dma_wait3A_244] : memref<512xi32, #tpu.memory_space<vmem>> -> memref<128xi32, #tpu.memory_space<vmem>>
      %dma_wait3A_246 = arith.constant 0 : i32
      %dma_wait3A_247 = arith.constant 0 : i32
      %dma_wait3A_248 = tpu.memref_slice %arg3[%dma_wait3A_246, %dma_wait3A_247] : memref<1000000x64xf32, #tpu.memory_space<hbm>> -> memref<1000000x64xf32, #tpu.memory_space<hbm>>
      tpu.wait_indirect_dma semaphore(%arg15 : memref<!tpu.dma_semaphore, #tpu.memory_space<semaphore_mem>>) src(%dma_wait3A_248 : memref<1000000x64xf32, #tpu.memory_space<hbm>>) dst(%dma_wait3A_243 : memref<128x64xf32, #tpu.memory_space<vmem>>)
      %dma_wait3A_249 = arith.constant 384 : i32
      %dma_wait3A_250 = arith.constant 0 : i32
      %dma_wait3A_251 = tpu.memref_slice %arg9[%dma_wait3A_249, %dma_wait3A_250] : memref<512x64xf32, #tpu.memory_space<vmem>> -> memref<128x64xf32, #tpu.memory_space<vmem>>
      %dma_wait3A_252 = arith.constant 384 : i32
      %dma_wait3A_253 = tpu.memref_slice %arg7[%dma_wait3A_252] : memref<512xi32, #tpu.memory_space<vmem>> -> memref<128xi32, #tpu.memory_space<vmem>>
      %dma_wait3A_254 = arith.constant 0 : i32
      %dma_wait3A_255 = arith.constant 0 : i32
      %dma_wait3A_256 = tpu.memref_slice %arg3[%dma_wait3A_254, %dma_wait3A_255] : memref<1000000x64xf32, #tpu.memory_space<hbm>> -> memref<1000000x64xf32, #tpu.memory_space<hbm>>
      tpu.wait_indirect_dma semaphore(%arg15 : memref<!tpu.dma_semaphore, #tpu.memory_space<semaphore_mem>>) src(%dma_wait3A_256 : memref<1000000x64xf32, #tpu.memory_space<hbm>>) dst(%dma_wait3A_251 : memref<128x64xf32, #tpu.memory_space<vmem>>)
      %dma_start3A_257 = arith.constant 0 : i32
      %dma_start3A_258 = tpu.memref_slice %arg4[%add3A_224, %dma_start3A_257] : memref<1638400x64xf32, #tpu.memory_space<hbm>> -> memref<512x64xf32, #tpu.memory_space<hbm>>
      %dma_start3A_259 = arith.constant 0 : i32
      %dma_start3A_260 = tpu.memref_slice %arg4[%add3A_224, %dma_start3A_259] : memref<1638400x64xf32, #tpu.memory_space<hbm>> -> memref<512x64xf32, #tpu.memory_space<hbm>>
      tpu.enqueue_dma source(%arg9 : memref<512x64xf32, #tpu.memory_space<vmem>>) target(%dma_start3A_260 : memref<512x64xf32, #tpu.memory_space<hbm>>) target_semaphore(%arg17 : memref<!tpu.dma_semaphore, #tpu.memory_space<semaphore_mem>>)
      %add3A_261 = arith.constant 4 : i32
      %add3A_262 = arith.addi %add3A_221, %add3A_261 : i32
      %lt3A_263 = arith.constant 100 : i32
      %lt3A_264 = arith.cmpi slt, %add3A_262, %lt3A_263 : i32
      %convert_element_type3A_265 = arith.extui %lt3A_264 : i1 to i32
      %cond3A_266 = arith.constant 0 : i32
      %cond3A_267 = arith.cmpi ne, %convert_element_type3A_265, %cond3A_266 : i32
      scf.if %cond3A_267 {
        %add3A_332 = arith.constant 2048 : i32
        %add3A_333 = arith.addi %add3A_224, %add3A_332 : i32
        %dma_start3A_334 = tpu.memref_slice %arg2[%add3A_333] : memref<1638400xi32, #tpu.memory_space<hbm>> -> memref<512xi32, #tpu.memory_space<hbm>>
        %dma_start3A_335 = tpu.memref_slice %arg2[%add3A_333] : memref<1638400xi32, #tpu.memory_space<hbm>> -> memref<512xi32, #tpu.memory_space<hbm>>
        tpu.enqueue_dma source(%dma_start3A_335 : memref<512xi32, #tpu.memory_space<hbm>>) target(%arg7 : memref<512xi32, #tpu.memory_space<vmem>>) target_semaphore(%arg13 : memref<!tpu.dma_semaphore, #tpu.memory_space<semaphore_mem>>)
      } else {
      }
      %add3A_268 = arith.constant 2 : i32
      %add3A_269 = arith.addi %add3A_221, %add3A_268 : i32
      %lt3A_270 = arith.constant 100 : i32
      %lt3A_271 = arith.cmpi slt, %add3A_269, %lt3A_270 : i32
      %convert_element_type3A_272 = arith.extui %lt3A_271 : i1 to i32
      %cond3A_273 = arith.constant 0 : i32
      %cond3A_274 = arith.cmpi ne, %convert_element_type3A_272, %cond3A_273 : i32
      scf.if %cond3A_274 {
        %dma_wait3A_332 = arith.constant 0 : i32
        %dma_wait3A_333 = tpu.memref_slice %arg4[%add3A_224, %dma_wait3A_332] : memref<1638400x64xf32, #tpu.memory_space<hbm>> -> memref<512x64xf32, #tpu.memory_space<hbm>>
        %dma_wait3A_334 = arith.constant 0 : i32
        %dma_wait3A_335 = tpu.memref_slice %arg4[%add3A_224, %dma_wait3A_334] : memref<1638400x64xf32, #tpu.memory_space<hbm>> -> memref<512x64xf32, #tpu.memory_space<hbm>>
        tpu.wait_dma2 semaphore(%arg17 : memref<!tpu.dma_semaphore, #tpu.memory_space<semaphore_mem>>) src(%arg9 : memref<512x64xf32, #tpu.memory_space<vmem>>) dst(%dma_wait3A_335 : memref<512x64xf32, #tpu.memory_space<hbm>>)
        %add3A_336 = arith.constant 1024 : i32
        %add3A_337 = arith.addi %add3A_224, %add3A_336 : i32
        %dma_wait3A_338 = tpu.memref_slice %arg2[%add3A_337] : memref<1638400xi32, #tpu.memory_space<hbm>> -> memref<512xi32, #tpu.memory_space<hbm>>
        %dma_wait3A_339 = tpu.memref_slice %arg2[%add3A_337] : memref<1638400xi32, #tpu.memory_space<hbm>> -> memref<512xi32, #tpu.memory_space<hbm>>
        tpu.wait_dma2 semaphore(%arg11 : memref<!tpu.dma_semaphore, #tpu.memory_space<semaphore_mem>>) src(%dma_wait3A_339 : memref<512xi32, #tpu.memory_space<hbm>>) dst(%arg5 : memref<512xi32, #tpu.memory_space<vmem>>)
        %dma_start3A_340 = arith.constant 0 : i32
        %dma_start3A_341 = arith.constant 0 : i32
        %dma_start3A_342 = tpu.memref_slice %arg9[%dma_start3A_340, %dma_start3A_341] : memref<512x64xf32, #tpu.memory_space<vmem>> -> memref<128x64xf32, #tpu.memory_space<vmem>>
        %dma_start3A_343 = arith.constant 0 : i32
        %dma_start3A_344 = tpu.memref_slice %arg5[%dma_start3A_343] : memref<512xi32, #tpu.memory_space<vmem>> -> memref<128xi32, #tpu.memory_space<vmem>>
        %dma_start3A_345 = arith.constant 0 : i32
        %dma_start3A_346 = arith.constant 0 : i32
        %dma_start3A_347 = tpu.memref_slice %arg3[%dma_start3A_345, %dma_start3A_346] : memref<1000000x64xf32, #tpu.memory_space<hbm>> -> memref<1000000x64xf32, #tpu.memory_space<hbm>>
        tpu.enqueue_indirect_dma source(%dma_start3A_347 : memref<1000000x64xf32, #tpu.memory_space<hbm>>) target(%dma_start3A_342 : memref<128x64xf32, #tpu.memory_space<vmem>>) offsets(%dma_start3A_344 : memref<128xi32, #tpu.memory_space<vmem>>) semaphore(%arg15 : memref<!tpu.dma_semaphore, #tpu.memory_space<semaphore_mem>>)
        %dma_start3A_348 = arith.constant 128 : i32
        %dma_start3A_349 = arith.constant 0 : i32
        %dma_start3A_350 = tpu.memref_slice %arg9[%dma_start3A_348, %dma_start3A_349] : memref<512x64xf32, #tpu.memory_space<vmem>> -> memref<128x64xf32, #tpu.memory_space<vmem>>
        %dma_start3A_351 = arith.constant 128 : i32
        %dma_start3A_352 = tpu.memref_slice %arg5[%dma_start3A_351] : memref<512xi32, #tpu.memory_space<vmem>> -> memref<128xi32, #tpu.memory_space<vmem>>
        %dma_start3A_353 = arith.constant 0 : i32
        %dma_start3A_354 = arith.constant 0 : i32
        %dma_start3A_355 = tpu.memref_slice %arg3[%dma_start3A_353, %dma_start3A_354] : memref<1000000x64xf32, #tpu.memory_space<hbm>> -> memref<1000000x64xf32, #tpu.memory_space<hbm>>
        tpu.enqueue_indirect_dma source(%dma_start3A_355 : memref<1000000x64xf32, #tpu.memory_space<hbm>>) target(%dma_start3A_350 : memref<128x64xf32, #tpu.memory_space<vmem>>) offsets(%dma_start3A_352 : memref<128xi32, #tpu.memory_space<vmem>>) semaphore(%arg15 : memref<!tpu.dma_semaphore, #tpu.memory_space<semaphore_mem>>)
        %dma_start3A_356 = arith.constant 256 : i32
        %dma_start3A_357 = arith.constant 0 : i32
        %dma_start3A_358 = tpu.memref_slice %arg9[%dma_start3A_356, %dma_start3A_357] : memref<512x64xf32, #tpu.memory_space<vmem>> -> memref<128x64xf32, #tpu.memory_space<vmem>>
        %dma_start3A_359 = arith.constant 256 : i32
        %dma_start3A_360 = tpu.memref_slice %arg5[%dma_start3A_359] : memref<512xi32, #tpu.memory_space<vmem>> -> memref<128xi32, #tpu.memory_space<vmem>>
        %dma_start3A_361 = arith.constant 0 : i32
        %dma_start3A_362 = arith.constant 0 : i32
        %dma_start3A_363 = tpu.memref_slice %arg3[%dma_start3A_361, %dma_start3A_362] : memref<1000000x64xf32, #tpu.memory_space<hbm>> -> memref<1000000x64xf32, #tpu.memory_space<hbm>>
        tpu.enqueue_indirect_dma source(%dma_start3A_363 : memref<1000000x64xf32, #tpu.memory_space<hbm>>) target(%dma_start3A_358 : memref<128x64xf32, #tpu.memory_space<vmem>>) offsets(%dma_start3A_360 : memref<128xi32, #tpu.memory_space<vmem>>) semaphore(%arg15 : memref<!tpu.dma_semaphore, #tpu.memory_space<semaphore_mem>>)
        %dma_start3A_364 = arith.constant 384 : i32
        %dma_start3A_365 = arith.constant 0 : i32
        %dma_start3A_366 = tpu.memref_slice %arg9[%dma_start3A_364, %dma_start3A_365] : memref<512x64xf32, #tpu.memory_space<vmem>> -> memref<128x64xf32, #tpu.memory_space<vmem>>
        %dma_start3A_367 = arith.constant 384 : i32
        %dma_start3A_368 = tpu.memref_slice %arg5[%dma_start3A_367] : memref<512xi32, #tpu.memory_space<vmem>> -> memref<128xi32, #tpu.memory_space<vmem>>
        %dma_start3A_369 = arith.constant 0 : i32
        %dma_start3A_370 = arith.constant 0 : i32
        %dma_start3A_371 = tpu.memref_slice %arg3[%dma_start3A_369, %dma_start3A_370] : memref<1000000x64xf32, #tpu.memory_space<hbm>> -> memref<1000000x64xf32, #tpu.memory_space<hbm>>
        tpu.enqueue_indirect_dma source(%dma_start3A_371 : memref<1000000x64xf32, #tpu.memory_space<hbm>>) target(%dma_start3A_366 : memref<128x64xf32, #tpu.memory_space<vmem>>) offsets(%dma_start3A_368 : memref<128xi32, #tpu.memory_space<vmem>>) semaphore(%arg15 : memref<!tpu.dma_semaphore, #tpu.memory_space<semaphore_mem>>)
      } else {
      }
      %mul3A_275 = arith.constant 4 : i32
      %mul3A_276 = arith.muli %scan3A_106, %mul3A_275 : i32
      %add3A_277 = arith.constant 3 : i32
      %add3A_278 = arith.addi %mul3A_276, %add3A_277 : i32
      %mul3A_279 = arith.constant 512 : i32
      %mul3A_280 = arith.muli %add3A_278, %mul3A_279 : i32
      %add3A_281 = arith.addi %mul3A_2, %mul3A_280 : i32
      %dma_wait3A_282 = arith.constant 0 : i32
      %dma_wait3A_283 = arith.constant 0 : i32
      %dma_wait3A_284 = tpu.memref_slice %arg10[%dma_wait3A_282, %dma_wait3A_283] : memref<512x64xf32, #tpu.memory_space<vmem>> -> memref<128x64xf32, #tpu.memory_space<vmem>>
      %dma_wait3A_285 = arith.constant 0 : i32
      %dma_wait3A_286 = tpu.memref_slice %arg8[%dma_wait3A_285] : memref<512xi32, #tpu.memory_space<vmem>> -> memref<128xi32, #tpu.memory_space<vmem>>
      %dma_wait3A_287 = arith.constant 0 : i32
      %dma_wait3A_288 = arith.constant 0 : i32
      %dma_wait3A_289 = tpu.memref_slice %arg3[%dma_wait3A_287, %dma_wait3A_288] : memref<1000000x64xf32, #tpu.memory_space<hbm>> -> memref<1000000x64xf32, #tpu.memory_space<hbm>>
      tpu.wait_indirect_dma semaphore(%arg16 : memref<!tpu.dma_semaphore, #tpu.memory_space<semaphore_mem>>) src(%dma_wait3A_289 : memref<1000000x64xf32, #tpu.memory_space<hbm>>) dst(%dma_wait3A_284 : memref<128x64xf32, #tpu.memory_space<vmem>>)
      %dma_wait3A_290 = arith.constant 128 : i32
      %dma_wait3A_291 = arith.constant 0 : i32
      %dma_wait3A_292 = tpu.memref_slice %arg10[%dma_wait3A_290, %dma_wait3A_291] : memref<512x64xf32, #tpu.memory_space<vmem>> -> memref<128x64xf32, #tpu.memory_space<vmem>>
      %dma_wait3A_293 = arith.constant 128 : i32
      %dma_wait3A_294 = tpu.memref_slice %arg8[%dma_wait3A_293] : memref<512xi32, #tpu.memory_space<vmem>> -> memref<128xi32, #tpu.memory_space<vmem>>
      %dma_wait3A_295 = arith.constant 0 : i32
      %dma_wait3A_296 = arith.constant 0 : i32
      %dma_wait3A_297 = tpu.memref_slice %arg3[%dma_wait3A_295, %dma_wait3A_296] : memref<1000000x64xf32, #tpu.memory_space<hbm>> -> memref<1000000x64xf32, #tpu.memory_space<hbm>>
      tpu.wait_indirect_dma semaphore(%arg16 : memref<!tpu.dma_semaphore, #tpu.memory_space<semaphore_mem>>) src(%dma_wait3A_297 : memref<1000000x64xf32, #tpu.memory_space<hbm>>) dst(%dma_wait3A_292 : memref<128x64xf32, #tpu.memory_space<vmem>>)
      %dma_wait3A_298 = arith.constant 256 : i32
      %dma_wait3A_299 = arith.constant 0 : i32
      %dma_wait3A_300 = tpu.memref_slice %arg10[%dma_wait3A_298, %dma_wait3A_299] : memref<512x64xf32, #tpu.memory_space<vmem>> -> memref<128x64xf32, #tpu.memory_space<vmem>>
      %dma_wait3A_301 = arith.constant 256 : i32
      %dma_wait3A_302 = tpu.memref_slice %arg8[%dma_wait3A_301] : memref<512xi32, #tpu.memory_space<vmem>> -> memref<128xi32, #tpu.memory_space<vmem>>
      %dma_wait3A_303 = arith.constant 0 : i32
      %dma_wait3A_304 = arith.constant 0 : i32
      %dma_wait3A_305 = tpu.memref_slice %arg3[%dma_wait3A_303, %dma_wait3A_304] : memref<1000000x64xf32, #tpu.memory_space<hbm>> -> memref<1000000x64xf32, #tpu.memory_space<hbm>>
      tpu.wait_indirect_dma semaphore(%arg16 : memref<!tpu.dma_semaphore, #tpu.memory_space<semaphore_mem>>) src(%dma_wait3A_305 : memref<1000000x64xf32, #tpu.memory_space<hbm>>) dst(%dma_wait3A_300 : memref<128x64xf32, #tpu.memory_space<vmem>>)
      %dma_wait3A_306 = arith.constant 384 : i32
      %dma_wait3A_307 = arith.constant 0 : i32
      %dma_wait3A_308 = tpu.memref_slice %arg10[%dma_wait3A_306, %dma_wait3A_307] : memref<512x64xf32, #tpu.memory_space<vmem>> -> memref<128x64xf32, #tpu.memory_space<vmem>>
      %dma_wait3A_309 = arith.constant 384 : i32
      %dma_wait3A_310 = tpu.memref_slice %arg8[%dma_wait3A_309] : memref<512xi32, #tpu.memory_space<vmem>> -> memref<128xi32, #tpu.memory_space<vmem>>
      %dma_wait3A_311 = arith.constant 0 : i32
      %dma_wait3A_312 = arith.constant 0 : i32
      %dma_wait3A_313 = tpu.memref_slice %arg3[%dma_wait3A_311, %dma_wait3A_312] : memref<1000000x64xf32, #tpu.memory_space<hbm>> -> memref<1000000x64xf32, #tpu.memory_space<hbm>>
      tpu.wait_indirect_dma semaphore(%arg16 : memref<!tpu.dma_semaphore, #tpu.memory_space<semaphore_mem>>) src(%dma_wait3A_313 : memref<1000000x64xf32, #tpu.memory_space<hbm>>) dst(%dma_wait3A_308 : memref<128x64xf32, #tpu.memory_space<vmem>>)
      %dma_start3A_314 = arith.constant 0 : i32
      %dma_start3A_315 = tpu.memref_slice %arg4[%add3A_281, %dma_start3A_314] : memref<1638400x64xf32, #tpu.memory_space<hbm>> -> memref<512x64xf32, #tpu.memory_space<hbm>>
      %dma_start3A_316 = arith.constant 0 : i32
      %dma_start3A_317 = tpu.memref_slice %arg4[%add3A_281, %dma_start3A_316] : memref<1638400x64xf32, #tpu.memory_space<hbm>> -> memref<512x64xf32, #tpu.memory_space<hbm>>
      tpu.enqueue_dma source(%arg10 : memref<512x64xf32, #tpu.memory_space<vmem>>) target(%dma_start3A_317 : memref<512x64xf32, #tpu.memory_space<hbm>>) target_semaphore(%arg18 : memref<!tpu.dma_semaphore, #tpu.memory_space<semaphore_mem>>)
      %add3A_318 = arith.constant 4 : i32
      %add3A_319 = arith.addi %add3A_278, %add3A_318 : i32
      %lt3A_320 = arith.constant 100 : i32
      %lt3A_321 = arith.cmpi slt, %add3A_319, %lt3A_320 : i32
      %convert_element_type3A_322 = arith.extui %lt3A_321 : i1 to i32
      %cond3A_323 = arith.constant 0 : i32
      %cond3A_324 = arith.cmpi ne, %convert_element_type3A_322, %cond3A_323 : i32
      scf.if %cond3A_324 {
        %add3A_332 = arith.constant 2048 : i32
        %add3A_333 = arith.addi %add3A_281, %add3A_332 : i32
        %dma_start3A_334 = tpu.memref_slice %arg2[%add3A_333] : memref<1638400xi32, #tpu.memory_space<hbm>> -> memref<512xi32, #tpu.memory_space<hbm>>
        %dma_start3A_335 = tpu.memref_slice %arg2[%add3A_333] : memref<1638400xi32, #tpu.memory_space<hbm>> -> memref<512xi32, #tpu.memory_space<hbm>>
        tpu.enqueue_dma source(%dma_start3A_335 : memref<512xi32, #tpu.memory_space<hbm>>) target(%arg8 : memref<512xi32, #tpu.memory_space<vmem>>) target_semaphore(%arg14 : memref<!tpu.dma_semaphore, #tpu.memory_space<semaphore_mem>>)
      } else {
      }
      %add3A_325 = arith.constant 2 : i32
      %add3A_326 = arith.addi %add3A_278, %add3A_325 : i32
      %lt3A_327 = arith.constant 100 : i32
      %lt3A_328 = arith.cmpi slt, %add3A_326, %lt3A_327 : i32
      %convert_element_type3A_329 = arith.extui %lt3A_328 : i1 to i32
      %cond3A_330 = arith.constant 0 : i32
      %cond3A_331 = arith.cmpi ne, %convert_element_type3A_329, %cond3A_330 : i32
      scf.if %cond3A_331 {
        %dma_wait3A_332 = arith.constant 0 : i32
        %dma_wait3A_333 = tpu.memref_slice %arg4[%add3A_281, %dma_wait3A_332] : memref<1638400x64xf32, #tpu.memory_space<hbm>> -> memref<512x64xf32, #tpu.memory_space<hbm>>
        %dma_wait3A_334 = arith.constant 0 : i32
        %dma_wait3A_335 = tpu.memref_slice %arg4[%add3A_281, %dma_wait3A_334] : memref<1638400x64xf32, #tpu.memory_space<hbm>> -> memref<512x64xf32, #tpu.memory_space<hbm>>
        tpu.wait_dma2 semaphore(%arg18 : memref<!tpu.dma_semaphore, #tpu.memory_space<semaphore_mem>>) src(%arg10 : memref<512x64xf32, #tpu.memory_space<vmem>>) dst(%dma_wait3A_335 : memref<512x64xf32, #tpu.memory_space<hbm>>)
        %add3A_336 = arith.constant 1024 : i32
        %add3A_337 = arith.addi %add3A_281, %add3A_336 : i32
        %dma_wait3A_338 = tpu.memref_slice %arg2[%add3A_337] : memref<1638400xi32, #tpu.memory_space<hbm>> -> memref<512xi32, #tpu.memory_space<hbm>>
        %dma_wait3A_339 = tpu.memref_slice %arg2[%add3A_337] : memref<1638400xi32, #tpu.memory_space<hbm>> -> memref<512xi32, #tpu.memory_space<hbm>>
        tpu.wait_dma2 semaphore(%arg12 : memref<!tpu.dma_semaphore, #tpu.memory_space<semaphore_mem>>) src(%dma_wait3A_339 : memref<512xi32, #tpu.memory_space<hbm>>) dst(%arg6 : memref<512xi32, #tpu.memory_space<vmem>>)
        %dma_start3A_340 = arith.constant 0 : i32
        %dma_start3A_341 = arith.constant 0 : i32
        %dma_start3A_342 = tpu.memref_slice %arg10[%dma_start3A_340, %dma_start3A_341] : memref<512x64xf32, #tpu.memory_space<vmem>> -> memref<128x64xf32, #tpu.memory_space<vmem>>
        %dma_start3A_343 = arith.constant 0 : i32
        %dma_start3A_344 = tpu.memref_slice %arg6[%dma_start3A_343] : memref<512xi32, #tpu.memory_space<vmem>> -> memref<128xi32, #tpu.memory_space<vmem>>
        %dma_start3A_345 = arith.constant 0 : i32
        %dma_start3A_346 = arith.constant 0 : i32
        %dma_start3A_347 = tpu.memref_slice %arg3[%dma_start3A_345, %dma_start3A_346] : memref<1000000x64xf32, #tpu.memory_space<hbm>> -> memref<1000000x64xf32, #tpu.memory_space<hbm>>
        tpu.enqueue_indirect_dma source(%dma_start3A_347 : memref<1000000x64xf32, #tpu.memory_space<hbm>>) target(%dma_start3A_342 : memref<128x64xf32, #tpu.memory_space<vmem>>) offsets(%dma_start3A_344 : memref<128xi32, #tpu.memory_space<vmem>>) semaphore(%arg16 : memref<!tpu.dma_semaphore, #tpu.memory_space<semaphore_mem>>)
        %dma_start3A_348 = arith.constant 128 : i32
        %dma_start3A_349 = arith.constant 0 : i32
        %dma_start3A_350 = tpu.memref_slice %arg10[%dma_start3A_348, %dma_start3A_349] : memref<512x64xf32, #tpu.memory_space<vmem>> -> memref<128x64xf32, #tpu.memory_space<vmem>>
        %dma_start3A_351 = arith.constant 128 : i32
        %dma_start3A_352 = tpu.memref_slice %arg6[%dma_start3A_351] : memref<512xi32, #tpu.memory_space<vmem>> -> memref<128xi32, #tpu.memory_space<vmem>>
        %dma_start3A_353 = arith.constant 0 : i32
        %dma_start3A_354 = arith.constant 0 : i32
        %dma_start3A_355 = tpu.memref_slice %arg3[%dma_start3A_353, %dma_start3A_354] : memref<1000000x64xf32, #tpu.memory_space<hbm>> -> memref<1000000x64xf32, #tpu.memory_space<hbm>>
        tpu.enqueue_indirect_dma source(%dma_start3A_355 : memref<1000000x64xf32, #tpu.memory_space<hbm>>) target(%dma_start3A_350 : memref<128x64xf32, #tpu.memory_space<vmem>>) offsets(%dma_start3A_352 : memref<128xi32, #tpu.memory_space<vmem>>) semaphore(%arg16 : memref<!tpu.dma_semaphore, #tpu.memory_space<semaphore_mem>>)
        %dma_start3A_356 = arith.constant 256 : i32
        %dma_start3A_357 = arith.constant 0 : i32
        %dma_start3A_358 = tpu.memref_slice %arg10[%dma_start3A_356, %dma_start3A_357] : memref<512x64xf32, #tpu.memory_space<vmem>> -> memref<128x64xf32, #tpu.memory_space<vmem>>
        %dma_start3A_359 = arith.constant 256 : i32
        %dma_start3A_360 = tpu.memref_slice %arg6[%dma_start3A_359] : memref<512xi32, #tpu.memory_space<vmem>> -> memref<128xi32, #tpu.memory_space<vmem>>
        %dma_start3A_361 = arith.constant 0 : i32
        %dma_start3A_362 = arith.constant 0 : i32
        %dma_start3A_363 = tpu.memref_slice %arg3[%dma_start3A_361, %dma_start3A_362] : memref<1000000x64xf32, #tpu.memory_space<hbm>> -> memref<1000000x64xf32, #tpu.memory_space<hbm>>
        tpu.enqueue_indirect_dma source(%dma_start3A_363 : memref<1000000x64xf32, #tpu.memory_space<hbm>>) target(%dma_start3A_358 : memref<128x64xf32, #tpu.memory_space<vmem>>) offsets(%dma_start3A_360 : memref<128xi32, #tpu.memory_space<vmem>>) semaphore(%arg16 : memref<!tpu.dma_semaphore, #tpu.memory_space<semaphore_mem>>)
        %dma_start3A_364 = arith.constant 384 : i32
        %dma_start3A_365 = arith.constant 0 : i32
        %dma_start3A_366 = tpu.memref_slice %arg10[%dma_start3A_364, %dma_start3A_365] : memref<512x64xf32, #tpu.memory_space<vmem>> -> memref<128x64xf32, #tpu.memory_space<vmem>>
        %dma_start3A_367 = arith.constant 384 : i32
        %dma_start3A_368 = tpu.memref_slice %arg6[%dma_start3A_367] : memref<512xi32, #tpu.memory_space<vmem>> -> memref<128xi32, #tpu.memory_space<vmem>>
        %dma_start3A_369 = arith.constant 0 : i32
        %dma_start3A_370 = arith.constant 0 : i32
        %dma_start3A_371 = tpu.memref_slice %arg3[%dma_start3A_369, %dma_start3A_370] : memref<1000000x64xf32, #tpu.memory_space<hbm>> -> memref<1000000x64xf32, #tpu.memory_space<hbm>>
        tpu.enqueue_indirect_dma source(%dma_start3A_371 : memref<1000000x64xf32, #tpu.memory_space<hbm>>) target(%dma_start3A_366 : memref<128x64xf32, #tpu.memory_space<vmem>>) offsets(%dma_start3A_368 : memref<128xi32, #tpu.memory_space<vmem>>) semaphore(%arg16 : memref<!tpu.dma_semaphore, #tpu.memory_space<semaphore_mem>>)
      } else {
      }
    }
    %scan3A_93 = arith.constant 25 : i32
    %add3A_94 = arith.constant 50176 : i32
    %add3A_95 = arith.addi %mul3A_2, %add3A_94 : i32
    %dma_wait3A_96 = arith.constant 0 : i32
    %dma_wait3A_97 = tpu.memref_slice %arg4[%add3A_95, %dma_wait3A_96] : memref<1638400x64xf32, #tpu.memory_space<hbm>> -> memref<512x64xf32, #tpu.memory_space<hbm>>
    %dma_wait3A_98 = arith.constant 0 : i32
    %dma_wait3A_99 = tpu.memref_slice %arg4[%add3A_95, %dma_wait3A_98] : memref<1638400x64xf32, #tpu.memory_space<hbm>> -> memref<512x64xf32, #tpu.memory_space<hbm>>
    tpu.wait_dma2 semaphore(%arg17 : memref<!tpu.dma_semaphore, #tpu.memory_space<semaphore_mem>>) src(%arg9 : memref<512x64xf32, #tpu.memory_space<vmem>>) dst(%dma_wait3A_99 : memref<512x64xf32, #tpu.memory_space<hbm>>)
    %add3A_100 = arith.constant 50688 : i32
    %add3A_101 = arith.addi %mul3A_2, %add3A_100 : i32
    %dma_wait3A_102 = arith.constant 0 : i32
    %dma_wait3A_103 = tpu.memref_slice %arg4[%add3A_101, %dma_wait3A_102] : memref<1638400x64xf32, #tpu.memory_space<hbm>> -> memref<512x64xf32, #tpu.memory_space<hbm>>
    %dma_wait3A_104 = arith.constant 0 : i32
    %dma_wait3A_105 = tpu.memref_slice %arg4[%add3A_101, %dma_wait3A_104] : memref<1638400x64xf32, #tpu.memory_space<hbm>> -> memref<512x64xf32, #tpu.memory_space<hbm>>
    tpu.wait_dma2 semaphore(%arg18 : memref<!tpu.dma_semaphore, #tpu.memory_space<semaphore_mem>>) src(%arg10 : memref<512x64xf32, #tpu.memory_space<vmem>>) dst(%dma_wait3A_105 : memref<512x64xf32, #tpu.memory_space<hbm>>)
    return
  }
}

</mosaic_0001>

<sc_bundles>
// kernel: kernel.4.cloned.1.call-start
scs
__scs_entry_jumppad:
0x0: {  	(pc) =	sbr.rel $0x88, $3  }
0x1: {  	(tag) =	ssettag $0x0;
	lr =	simm.s32 $0x1  }
0x2: {  	[smem:$0x3F9F] =	sst lr;
	_ =	strace $0xD0000000  }
0x3: {  	_ = 	snop  }
0x4: {  	_ = 	snop  }
0x5: {  	_ = 	snop  }
0x6: {  	_ = 	snop  }
0x7: {  	_ = 	snop  }
__scs_overlays_trampoline_lowered:
0x8: {  	[smem:$0x3FAE] =	sst s0  }
0x9: {  	[smem:$0x3FAF] =	sst s1  }
0xa: {  	[smem:$0x3FB0] =	sst s2  }
0xb: {  	[smem:$0x3FB1] =	sst s3  }
0xc: {  	[smem:$0x3FB2] =	sst s4  }
0xd: {  	[smem:$0x3FB3] =	sst s5  }
0xe: {  	[smem:$0x3FB4] =	sst s6  }
0xf: {  	[smem:$0x3FB5] =	sst s7  }
0x10: {  	[smem:$0x3FB6] =	sst s8  }
0x11: {  	[smem:$0x3FB7] =	sst s9;
	s0 =	simm.s32 @!p0 $0x0  }
0x12: {  	s1 =	sld [smem:$0x3F9D];
	s0 =	simm.s32 @p0 $0x1  }
0x13: {  	[smem:$0x3FB8] =	sst s0;
	s0 =	simm.s32 @!p1 $0x0  }
0x14: {  	s2 =	sld [smem:$0x3F9C];
	s0 =	simm.s32 @p1 $0x1  }
0x15: {  	[smem:$0x3FB9] =	sst s0;
	s0 =	simm.s32 @!p2 $0x0  }
0x16: {  	s3 =	sld [smem:$0x3FDB];
	s0 =	simm.s32 @p2 $0x1  }
0x17: {  	s4 =	simm.s32 $0x1BF5;
	[smem:$0x3FBB] =	sst s0  }
0x18: {  	s0 =	sld [smem:$0x3F9E];
	_ =	swait.ge [sflag:s4], $0x0  }
0x19: {  	s7 =	sld [smem:$0x3F9F]  }
0x1a: {  	s8 =	sadd.s32 $0xFFFFE003, lr  }
0x1b: {  	s9 =	sadd.s32 $0xFFFFFEF7, lr;
	s5 =	simm.s32 $0xFFFFFFFF;
	p2 =	slt.u32 s8, $0xFFFFF086  }
0x1c: {  	p1 =	slt.u32 s9, $0xF7A;
	s5 =	simm.s32 @!p2 $0x0  }
0x1d: {  	s5 =	simm.s32 @p1 $0x1;
	p0 =	seq.s32 s7, s2  }
0x1e: {  	s7 =	smul.u32 @!p0 $0xF7A, s2;
	p2 =	seq.s32 @!p0 s5, $0x0  }
0x1f: {  	s9 =	smul.u32 $0xF7A, s1;
	s8 =	simm.s32 @!p0 $0x1BF5;
	p2 =	por !p2, p0  }
0x20: {  	[sflag:s8] =	ssyncset.s32 @!p0 $0xFFFFF086;
	s6 =	sadd.s32 @!p0 s3, s7;
	s7 =	simm.s32 @!p0 $0x108  }
0x21: {  	s3 =	sadd.s32 s3, s9;
	s6 =	sadd.s32 @!p0 $0x88, s6;
	s7 =	simm.s32 @p2 $0x1082  }
0x22: {  	[simem:s7], [sflag:s8] =	dma.local @!p0 [hbm:s6], $0xF7A  }
0x23: {  	s9 =	sor.u32 $0xD0000000, s2;
	s6 =	simm.s32 $0x108;
	_ =	swait.ge @!p0 [sflag:s8], $0x0  }
0x24: {  	s3 =	sadd.s32 $0x88, s3;
	s6 =	simm.s32 @!p1 $0x1082;
	[sflag:s4] =	ssyncset.s32 $0xFFFFF086  }
0x25: {  	[simem:s6], [sflag:s4] =	dma.local [hbm:s3], $0xF7A  }
0x26: {  	[smem:$0x3F9F] =	sst s1;
	(tag) =	ssettag s2;
	_ =	strace s9  }
0x27: {  	s1 =	sld [smem:$0x3FAF]  }
0x28: {  	s2 =	sld [smem:$0x3FB0]  }
0x29: {  	s4 =	sld [smem:$0x3FB2]  }
0x2a: {  	p0 =	seq.s32 s5, $0x0;
	s5 =	sld [smem:$0x3FB3]  }
0x2b: {  	s6 =	sld [smem:$0x3FB4]  }
0x2c: {  	s7 =	sld [smem:$0x3FB5]  }
0x2d: {  	s3 =	simm.s32 $0x108;
	s8 =	sld [smem:$0x3FB6]  }
0x2e: {  	s3 =	simm.s32 @!p0 $0x1082;
	s9 =	sld [smem:$0x3FB7]  }
0x2f: {  	lr =	sadd.s32 s0, s3;
	s0 =	sld [smem:$0x3FAE]  }
0x30: {  	s3 =	sld [smem:$0x3FB1]  }
0x31: {  	[smem:$0x3FBA] =	sst s10  }
0x32: {  	s10 =	sld [smem:$0x3FB8];
	_ =	sdelay $0x3  }
0x33: {  	p0 =	seq.s32 s10, $0x1;
	s10 =	sld [smem:$0x3FBA];
	_ =	sdelay $0x3  }
0x34: {  	[smem:$0x3FBA] =	sst s10  }
0x35: {  	s10 =	sld [smem:$0x3FB9];
	_ =	sdelay $0x3  }
0x36: {  	p1 =	seq.s32 s10, $0x1;
	s10 =	sld [smem:$0x3FBA];
	_ =	sdelay $0x3  }
0x37: {  	[smem:$0x3FBA] =	sst s10  }
0x38: {  	s10 =	sld [smem:$0x3FBB]  }
0x39: {  	_ = 	snop;
	(pc) =	sbr.ind lr, $3  }
0x3a: {  	_ = 	snop  }
0x3b: {  	_ = 	snop  }
0x3c: {  	p2 =	seq.s32 s10, $0x1;
	s10 =	sld [smem:$0x3FBA]  }
0x3d: {  	_ =	shalt  }
0x3e: {  	_ =	shalt  }
0x3f: {  	_ =	shalt  }
0x40: {  	_ =	shalt  }
0x41: {  	_ =	shalt  }
0x42: {  	_ =	shalt  }
0x43: {  	_ =	shalt  }
0x44: {  	_ =	shalt  }
0x45: {  	_ =	shalt  }
0x46: {  	_ =	shalt  }
0x47: {  	_ =	shalt  }
0x48: {  	_ =	shalt  }
0x49: {  	_ =	shalt  }
0x4a: {  	_ =	shalt  }
0x4b: {  	_ =	shalt  }
0x4c: {  	_ =	shalt  }
0x4d: {  	_ =	shalt  }
0x4e: {  	_ =	shalt  }
0x4f: {  	_ =	shalt  }
0x50: {  	_ =	shalt  }
0x51: {  	_ =	shalt  }
0x52: {  	_ =	shalt  }
0x53: {  	_ =	shalt  }
0x54: {  	_ =	shalt  }
0x55: {  	_ =	shalt  }
0x56: {  	_ =	shalt  }
0x57: {  	_ =	shalt  }
0x58: {  	_ =	shalt  }
0x59: {  	_ =	shalt  }
0x5a: {  	_ =	shalt  }
0x5b: {  	_ =	shalt  }
0x5c: {  	_ =	shalt  }
0x5d: {  	_ =	shalt  }
0x5e: {  	_ =	shalt  }
0x5f: {  	_ =	shalt  }
0x60: {  	_ =	shalt  }
0x61: {  	_ =	shalt  }
0x62: {  	_ =	shalt  }
0x63: {  	_ =	shalt  }
0x64: {  	_ =	shalt  }
0x65: {  	_ =	shalt  }
0x66: {  	_ =	shalt  }
0x67: {  	_ =	shalt  }
0x68: {  	_ =	shalt  }
0x69: {  	_ =	shalt  }
0x6a: {  	_ =	shalt  }
0x6b: {  	_ =	shalt  }
0x6c: {  	_ =	shalt  }
0x6d: {  	_ =	shalt  }
0x6e: {  	_ =	shalt  }
0x6f: {  	_ =	shalt  }
0x70: {  	_ =	shalt  }
0x71: {  	_ =	shalt  }
0x72: {  	_ =	shalt  }
0x73: {  	_ =	shalt  }
0x74: {  	_ =	shalt  }
0x75: {  	_ =	shalt  }
0x76: {  	_ =	shalt  }
0x77: {  	_ =	shalt  }
0x78: {  	_ =	shalt  }
0x79: {  	_ =	shalt  }
0x7a: {  	_ =	shalt  }
0x7b: {  	_ =	shalt  }
0x7c: {  	_ =	shalt  }
0x7d: {  	_ =	shalt  }
0x7e: {  	_ =	shalt  }
0x7f: {  	_ =	shalt  }
0x80: {  	_ =	shalt  }
0x81: {  	_ =	shalt  }
0x82: {  	_ =	shalt  }
0x83: {  	_ =	shalt  }
0x84: {  	_ =	shalt  }
0x85: {  	_ =	shalt  }
0x86: {  	_ =	shalt  }
0x87: {  	_ =	shalt  }
.Lfunc_end0:
.L_simem_size_0:
called_computation.1_lowered:
.L_overlay_start_0:
0x88: {  	s2 =	sld [smem:$0x3FD9]  }
0x89: {  	s3 =	sld [smem:$0x3FFE];
	_ =	sdelay $0x1  }
0x8a: {  	s1 =	srdreg.scid  }
0x8b: {  	s0 =	sand.u32 $0x1, s1  }
0x8c: {  	s17 =	sshll.u32 s0, $0xA;
	s2 =	sadd.s32 s3, s2  }
0x8d: {  	s2 =	sadd.s32 s2, s17  }
0x8e: {  	[smem:$0x3FC6] =	sst s2  }
0x8f: {  	_ = 	snop  }
0x90: {  	(tm) =	ssettm $0x1  }
0x91: {  	s18 =	sld [smem:$0x3FFB];
	_ =	sdelay $0x3  }
0x92: {  	_ =	strace s18  }
0x93: {  	s2 =	sld [smem:$0x3FFC];
	_ =	sdelay $0x3  }
0x94: {  	_ =	strace s2  }
0x95: {  	s2 =	sld [smem:$0x3FFD];
	_ =	sdelay $0x3  }
0x96: {  	_ =	strace s2  }
0x97: {  	_ =	strace $0x8FFFFFFF  }
0x98: {  	s19 =	sld [smem:$0x3FDB];
	_ =	sdelay $0x1  }
0x99: {  	s20 =	simm.s32 $_scs_section_size  }
0x9a: {  	s4 =	simm.s32 $_size__tile_overlayer_lowered;
	s5 =	simm.s32 $_tile_overlayer_lowered  }
0x9b: {  	s6 =	simm.s32 $0x1BFF;
	s21 =	sshll.u32 s5, $0x1;
	s3 =	sadd.s32 s20, s19  }
0x9c: {  	s22 =	simm.s32 $0x0;
	s4 =	sshll.u32 s4, $0x1;
	s5 =	sadd.s32 s21, s3  }
0x9d: {  	[timem:s22], [sflag:s6] =	dma.local [hbm:s5], s4  }
0x9e: {  	_ =	swait.ge [sflag:s6], s4  }
0x9f: {  	s4 =	ssub.s32 $0x0, s4;
	[sflag:s6] =	ssyncset.done $0x0  }
0xa0: {  	[sflag:s6] =	ssyncadd.s32 s4;
	_ =	sdelay $0x1  }
0xa1: {  	s23 =	simm.s32 $0x1B8B  }
0xa2: {  	_ =	swait.ge [sflag:s23], $0x1  }
0xa3: {  	[sflag:s23] =	ssyncset.done $0x0  }
0xa4: {  	[sflag:s23] =	ssyncadd.s32 $0xFFFFFFFF  }
0xa5: {  	s4 =	sld [smem:$0x0]  }
0xa6: {  	s5 =	sand.u32 $0xFFFFFFFE, s1  }
0xa7: {  	p0 =	sne.s32 s1, s5  }
0xa8: {  	s5 =	sshll.u32 @p0 s5, $0xE  }
0xa9: {  	s5 =	sadd.s32 @p0 $0x11B8D, s5;
	s6 =	sshll.u32 @p0 s4, $0x11  }
0xaa: {  	s5 =	sor.u32 @p0 s6, s5  }
0xab: {  	[sflag:s5] =	ssyncadd.remote.s32 @p0 $0x1;
	_ =	sdelay $0x1  }
0xac: {  	s5 =	simm.s32 @p0 $0x1B8D  }
0xad: {  	_ =	swait.eq @p0 [sflag:s5], $0x1  }
0xae: {  	[sflag:s5] =	ssyncadd.s32 @p0 $0xFFFFFFFF  }
0xaf: {  	s6 =	sshll.u32 @!p0 s1, $0xE  }
0xb0: {  	s6 =	sor.u32 @!p0 $0x4000, s6;
	s5 =	simm.s32 @!p0 $0x1B8D  }
0xb1: {  	s4 =	sshll.u32 @!p0 s4, $0x11;
	s6 =	sadd.s32 @!p0 $0x11B8D, s6;
	_ =	swait.eq @!p0 [sflag:s5], $0x1  }
0xb2: {  	s4 =	sor.u32 @!p0 s4, s6;
	[sflag:s5] =	ssyncadd.s32 @!p0 $0xFFFFFFFF  }
0xb3: {  	s25 =	simm.s32 $0x1B8E;
	s24 =	sld [smem:$0x3FFE];
	[sflag:s4] =	ssyncadd.remote.s32 @!p0 $0x1  }
0xb4: {  	s26 =	simm.s32 $execute0_lowered;
	[smem:$0x3FD2] =	sst s25  }
0xb5: {  	s5 =	sshll.u32 s26, $0x1;
	_ =	strace $0x80000049;
	[dreg:$0x1] =	wrdreg $0xFFFFFFFF  }
0xb6: {  	s28 =	simm.s32 $_size_execute0_lowered;
	s3 =	sadd.s32 s3, s5;
	[dreg:$0x0] =	wrdreg $0x0  }
0xb7: {  	s5 =	sshll.u32 s28, $0x1;
	[dreg:$0x2] =	wrdreg s3  }
0xb8: {  	[dreg:$0x3] =	wrdreg s5  }
0xb9: {  	[dreg:$0x4] =	wrdreg $0xC0  }
0xba: {  	_ =	task [dreg:s22], $0x5FFFF  }
0xbb: {  	[dreg:$0x1] =	wrdreg $0xFFFFFFFF  }
0xbc: {  	[dreg:$0x0] =	wrdreg $0x60  }
0xbd: {  	[dreg:$0x2] =	wrdreg s24  }
0xbe: {  	[dreg:$0x3] =	wrdreg $0x9  }
0xbf: {  	_ =	task.clear_ibuf [dreg:s22], $0x4FFFF;
	_ =	strace $0x90000049  }
0xc0: {  	s29 =	simm.s32 $0x9;
	_ =	strace $0x8000004B  }
0xc1: {  	_ =	swait.ge [sflag:s29], $0x1  }
0xc2: {  	[sflag:s29] =	ssyncadd.s32 $0xFFFFFFFF  }
0xc3: {  	_ =	strace $0x9000004B  }
0xc4: {  	_ =	sfence  }
0xc5: {  	s30 =	sld [smem:$0x0];
	_ =	sdelay $0x2  }
0xc6: {  	s31 =	sshll.u32 s1, $0xD;
	s1 =	sshrl.u32 s1, $0x2  }
0xc7: {  	s4 =	sand.u32 $0x4000, s31;
	s1 =	sadd.s32 s1, s30  }
0xc8: {  	s0 =	sor.u32 s4, s0;
	s1 =	sshll.u32 s1, $0x11  }
0xc9: {  	s0 =	sor.u32 s1, s0  }
0xca: {  	s0 =	sadd.s32 $0x8F2B, s0  }
0xcb: {  	[sflag:s0] =	ssyncadd.remote.s32 $0x1  }
0xcc: {  	_ =	sfence.sel $0xFFFF  }
0xcd: {  	[dreg:$0x0] =	wrdreg $0xFFFFFFFF;
	(pc) =	sbr.abs _section_cstart, $3  }
0xce: {  	[dreg:$0x1] =	wrdreg $0xFFFFFFFF  }
0xcf: {  	_ =	task.clear_ibuf [dreg:s22], $0x2FFFF;
	_ =	strace $0x9FFFFFFF  }
0xd0: {  	(tm) =	ssettm $0x7FFFFFFF  }
0xd1: {  	_ =	shalt  }
tec
execute0_lowered:
.L_overlay_start_1:
0x0: {  	(tag) =	ssettag $0x1  }
0x1: {  	s0 =	rddreg [dreg:$0x0];
	s1 =	srdreg.scid  }
0x2: {  	s11 =	stileid.u32;
	s2 =	simm.s32 $0x0;
	s30 =	simm.s32 $0x2  }
0x3: {  	s31 =	simm.s32 $0x8800;
	s28 =	simm.s32 $0xC800;
	s6 =	smul.u32 $0x19000, s11  }
0x4: {  	s1 =	sand.u32 $0x1, s1;
	s3 =	sshll.u32 s11, $0x1;
	s24 =	smul.u32 $0xC8000, s11  }
0x5: {  	[smem:$0x7FF] =	sst s2;
	s4 =	sadd.s32 $0x33000, s0;
	s8 =	smul.u32 $0xC800, s1  }
0x6: {  	s3 =	sor.u32 s1, s3;
	s7 =	ssub.s32 $0x2, s1;
	s1 =	smul.u32 $0x64000, s1  }
0x7: {  	s11 =	simm.s32 $0x3;
	_ =	strace $0x8000004A;
	s5 =	smul.u32 $0xC800, s3  }
0x8: {  	s3 =	sadd.s32 $0x1454200, s0;
	s0 =	sadd.s32 $0x1486200, s0;
	s9 =	sshrl.u32 s7, $0x1  }
0x9: {  	s17 =	ssub.s32 s7, s9;
	s6 =	sadd.s32 s8, s6;
	s9 =	simm.s32 $0x7  }
0xa: {  	s5 =	sshrl.u32 s5, $0x3;
	s20 =	sshll.u32 s6, $0x3;
	s8 =	sadd.s32 $0xE00, s6  }
0xb: {  	s23 =	sadd.s32 $0xC00, s6;
	s25 =	sadd.s32 $0xA00, s6;
	s29 =	sadd.s32 $0x800, s6  }
0xc: {  	s6 =	simm.s32 $0x0;
	s10 =	sadd.s32 s3, s5;
	s7 =	sadd.s32 s20, s0  }
0xd: {  	s8 =	sshrl.u32 s8, $0x3;
	s5 =	smax.u32 s17, $0x1;
	s26 =	sshrl.u32 s25, $0x3  }
0xe: {  	s0 =	sadd.s32 s24, s0;
	[dreg:$0xa] =	wrdreg s29;
	s20 =	simm.s32 $0x600  }
0xf: {  	s17 =	simm.s32 $0x6;
	s24 =	simm.s32 $0x200;
	s18 =	sadd.s32 $0x40, s10  }
0x10: {  	s19 =	sadd.s32 $0x80, s10;
	[dreg:$0x2] =	wrdreg s10;
	s21 =	sadd.s32 $0xC0, s10  }
0x11: {  	[dreg:$0x6] =	wrdreg s5;
	s10 =	sadd.s32 $0x3000, s7;
	s22 =	sadd.s32 s8, s3  }
0x12: {  	s12 =	sadd.s32 $0x2000, s7;
	s5 =	sshrl.u32 s23, $0x3;
	s14 =	sadd.s32 $0x1000, s7  }
0x13: {  	s16 =	sadd.s32 s1, s0;
	s23 =	simm.s32 $0x800;
	[dreg:$0x3] =	wrdreg s18  }
.Ltmp0:
0x14: {  	s1 =	simm.s32 $0xA800;
	[dreg:$0x4] =	wrdreg s19;
	(pc) =	sbr.rel .LBB2_1-.Ltmp0, $4  }
0x15: {  	s7 =	simm.s32 $0xE800;
	s8 =	simm.s32 $0x5;
	[dreg:$0x5] =	wrdreg s21  }
0x16: {  	s0 =	simm.s32 $0x780;
	[dreg:$0x7] =	wrdreg s22;
	s5 =	sadd.s32 s5, s3  }
0x17: {  	s22 =	simm.s32 $0x80;
	[dreg:$0x8] =	wrdreg s5;
	s5 =	sadd.s32 s26, s3  }
0x18: {  	s21 =	simm.s32 $0x8;
	s18 =	simm.s32 $0x4;
	[dreg:$0x9] =	wrdreg s5  }
.LBB2_4:
0x19: {  	_ =	swait.ge [sflag:s9], $0x8000  }
0x1a: {  	[sflag:s9] =	ssyncset.done $0x0  }
0x1b: {  	[sflag:s9] =	ssyncadd.s32 $0xFFFF8000  }
0x1c: {  	_ =	swait.ge [sflag:s21], $0x8000  }
0x1d: {  	s6 =	rddreg [dreg:$0xb]  }
0x1e: {  	s5 =	rddreg [dreg:$0x6];
	s6 =	sadd.s32 $0x1, s6  }
0x1f: {  	p0 =	sne.s32 s6, s5  }
.Ltmp1:
0x20: {  	_ = 	snop;
	(pc) =	sbr.rel @!p0 .LBB2_5-.Ltmp1, $3  }
0x21: {  	_ =	sdelay $0x1  }
0x22: {  	[sflag:s21] =	ssyncset.done $0x0  }
0x23: {  	[sflag:s21] =	ssyncadd.s32 $0xFFFF8000  }
.LBB2_1:
0x24: {  	[dreg:$0xb] =	wrdreg s6  }
0x25: {  	s5 =	rddreg [dreg:$0x2]  }
0x26: {  	[tilespmem:s2], [sflag:$0x1] =	stream.linear.gather [hbm4b:s5+s2], $0x200, $0x38;
	[tilespmem:$0x10800] =	vst v63  }
0x27: {  	s25 =	rddreg [dreg:$0x3];
	s6 =	simm.s32 $0x200  }
0x28: {  	[tilespmem:s6], [sflag:$0x2] =	stream.linear.gather [hbm4b:s25+s2], $0x200, $0x38;
	[tilespmem:$0x10800] =	vst v63  }
0x29: {  	s26 =	rddreg [dreg:$0x4];
	s13 =	simm.s32 $0x400  }
0x2a: {  	[tilespmem:s13], [sflag:$0x3] =	stream.linear.gather [hbm4b:s26+s2], $0x200, $0x38;
	[tilespmem:$0x10800] =	vst v63  }
0x2b: {  	s15 =	simm.s32 $0x1;
	s13 =	rddreg [dreg:$0x5]  }
0x2c: {  	[tilespmem:s20], [sflag:$0x4] =	stream.linear.gather [hbm4b:s13+s2], $0x200, $0x38;
	[tilespmem:$0x10800] =	vst v63  }
0x2d: {  	_ =	swait.ge [sflag:s15], $0x200  }
0x2e: {  	[sflag:s15] =	ssyncset.done $0x0  }
0x2f: {  	[sflag:s15] =	ssyncadd.s32 $0xFFFFFE00  }
0x30: {  	[tilespmem:s23], [sflag:$0x5] =	stream.indirect.gather [hbm4b:s4+s22], $0x40, s2, s22, $0xb8;
	[tilespmem:$0x10800] =	vst v63  }
0x31: {  	s19 =	simm.s32 $0x2800  }
0x32: {  	[tilespmem:s19], [sflag:$0x5] =	stream.indirect.gather [hbm4b:s4+s22], $0x40, s22, s22, $0xb8;
	[tilespmem:$0x10800] =	vst v63  }
0x33: {  	s25 =	simm.s32 $0x100;
	s26 =	simm.s32 $0x4800  }
0x34: {  	[tilespmem:s26], [sflag:$0x5] =	stream.indirect.gather [hbm4b:s4+s22], $0x40, s25, s22, $0xb8;
	[tilespmem:$0x10800] =	vst v63  }
0x35: {  	s13 =	simm.s32 $0x180;
	s15 =	simm.s32 $0x6800  }
0x36: {  	[tilespmem:s15], [sflag:$0x5] =	stream.indirect.gather [hbm4b:s4+s22], $0x40, s13, s22, $0xb8;
	[tilespmem:$0x10800] =	vst v63  }
0x37: {  	_ =	swait.ge [sflag:s30], $0x200  }
0x38: {  	[sflag:s30] =	ssyncset.done $0x0  }
0x39: {  	[sflag:s30] =	ssyncadd.s32 $0xFFFFFE00  }
0x3a: {  	[tilespmem:s31], [sflag:$0x6] =	stream.indirect.gather [hbm4b:s4+s22], $0x40, s6, s22, $0xb8;
	[tilespmem:$0x10800] =	vst v63  }
0x3b: {  	s19 =	simm.s32 $0x280;
	s29 =	rddreg [dreg:$0x8]  }
0x3c: {  	[tilespmem:s1], [sflag:$0x6] =	stream.indirect.gather [hbm4b:s4+s22], $0x40, s19, s22, $0xb8;
	[tilespmem:$0x10800] =	vst v63  }
0x3d: {  	s25 =	simm.s32 $0x300;
	s6 =	rddreg [dreg:$0x7]  }
0x3e: {  	[tilespmem:s28], [sflag:$0x6] =	stream.indirect.gather [hbm4b:s4+s22], $0x40, s25, s22, $0xb8;
	[tilespmem:$0x10800] =	vst v63  }
0x3f: {  	s26 =	simm.s32 $0x380;
	s25 =	rddreg [dreg:$0x9]  }
0x40: {  	[tilespmem:s7], [sflag:$0x6] =	stream.indirect.gather [hbm4b:s4+s22], $0x40, s26, s22, $0xb8;
	[tilespmem:$0x10800] =	vst v63  }
0x41: {  	s5 =	simm.s32 $0x0;
	s26 =	rddreg [dreg:$0xa]  }
.LBB2_2:
0x42: {  	_ =	swait.ge [sflag:s8], $0x2000  }
0x43: {  	[sflag:s8] =	ssyncset.done $0x0  }
0x44: {  	[sflag:s8] =	ssyncadd.s32 $0xFFFFE000  }
0x45: {  	_ =	swait.ge [sflag:s8], $0x2000  }
0x46: {  	[sflag:s8] =	ssyncset.done $0x0  }
0x47: {  	[sflag:s8] =	ssyncadd.s32 $0xFFFFE000  }
0x48: {  	_ =	swait.ge [sflag:s8], $0x2000  }
0x49: {  	[sflag:s8] =	ssyncset.done $0x0  }
0x4a: {  	[sflag:s8] =	ssyncadd.s32 $0xFFFFE000  }
0x4b: {  	_ =	swait.ge [sflag:s8], $0x2000  }
0x4c: {  	[sflag:s8] =	ssyncset.done $0x0  }
0x4d: {  	s13 =	sadd.s32 s5, s16;
	p0 =	seq.s32 s5, $0x60000;
	[sflag:s8] =	ssyncadd.s32 $0xFFFFE000  }
0x4e: {  	[hbm4b:s13+s2] =	stream.linear.scatter [tilespmem:s23], [sflag:$0x7], $0x8000, $0x38;
	[tilespmem:$0x10800] =	vst v63  }
0x4f: {  	s13 =	sshrl.u32 @!p0 s26, $0x3  }
0x50: {  	s15 =	sadd.s32 @!p0 s3, s13;
	s13 =	simm.s32 @!p0 $0x0  }
0x51: {  	[tilespmem:s13], [sflag:$0x1] =	stream.linear.gather @!p0 [hbm4b:s15+s13], $0x200, $0x38;
	[tilespmem:$0x10800] =	vst v63  }
0x52: {  	_ =	swait.ge [sflag:s9], $0x8000  }
0x53: {  	[sflag:s9] =	ssyncset.done $0x0  }
0x54: {  	[sflag:s9] =	ssyncadd.s32 $0xFFFF8000  }
0x55: {  	_ =	swait.ge [sflag:s11], $0x200  }
0x56: {  	[sflag:s11] =	ssyncset.done $0x0  }
0x57: {  	s19 =	simm.s32 $0x400;
	[sflag:s11] =	ssyncadd.s32 $0xFFFFFE00  }
0x58: {  	[tilespmem:s23], [sflag:$0x5] =	stream.indirect.gather [hbm4b:s4+s22], $0x40, s19, s22, $0xb8;
	[tilespmem:$0x10800] =	vst v63  }
0x59: {  	s15 =	simm.s32 $0x2800;
	s19 =	simm.s32 $0x480  }
0x5a: {  	[tilespmem:s15], [sflag:$0x5] =	stream.indirect.gather [hbm4b:s4+s22], $0x40, s19, s22, $0xb8;
	[tilespmem:$0x10800] =	vst v63  }
0x5b: {  	s15 =	simm.s32 $0x4800;
	s19 =	simm.s32 $0x500  }
0x5c: {  	[tilespmem:s15], [sflag:$0x5] =	stream.indirect.gather [hbm4b:s4+s22], $0x40, s19, s22, $0xb8;
	[tilespmem:$0x10800] =	vst v63  }
0x5d: {  	s15 =	simm.s32 $0x6800;
	s19 =	simm.s32 $0x580  }
0x5e: {  	[tilespmem:s15], [sflag:$0x5] =	stream.indirect.gather [hbm4b:s4+s22], $0x40, s19, s22, $0xb8;
	[tilespmem:$0x10800] =	vst v63  }
0x5f: {  	_ =	swait.ge [sflag:s17], $0x2000  }
0x60: {  	[sflag:s17] =	ssyncset.done $0x0  }
0x61: {  	[sflag:s17] =	ssyncadd.s32 $0xFFFFE000  }
0x62: {  	_ =	swait.ge [sflag:s17], $0x2000  }
0x63: {  	[sflag:s17] =	ssyncset.done $0x0  }
0x64: {  	[sflag:s17] =	ssyncadd.s32 $0xFFFFE000  }
0x65: {  	_ =	swait.ge [sflag:s17], $0x2000  }
0x66: {  	[sflag:s17] =	ssyncset.done $0x0  }
0x67: {  	[sflag:s17] =	ssyncadd.s32 $0xFFFFE000  }
0x68: {  	_ =	swait.ge [sflag:s17], $0x2000  }
0x69: {  	[sflag:s17] =	ssyncset.done $0x0  }
0x6a: {  	s19 =	sadd.s32 s5, s14;
	[sflag:s17] =	ssyncadd.s32 $0xFFFFE000  }
0x6b: {  	[hbm4b:s19+s2] =	stream.linear.scatter [tilespmem:s31], [sflag:$0x8], $0x8000, $0x38;
	[tilespmem:$0x10800] =	vst v63  }
0x6c: {  	s15 =	simm.s32 @!p0 $0x200  }
0x6d: {  	[tilespmem:s15], [sflag:$0x2] =	stream.linear.gather @!p0 [hbm4b:s25+s13], $0x200, $0x38;
	[tilespmem:$0x10800] =	vst v63  }
0x6e: {  	_ =	swait.ge [sflag:s21], $0x8000  }
0x6f: {  	[sflag:s21] =	ssyncset.done $0x0  }
0x70: {  	[sflag:s21] =	ssyncadd.s32 $0xFFFF8000  }
0x71: {  	_ =	swait.ge [sflag:s18], $0x200  }
0x72: {  	[sflag:s18] =	ssyncset.done $0x0  }
0x73: {  	[sflag:s18] =	ssyncadd.s32 $0xFFFFFE00  }
0x74: {  	[tilespmem:s31], [sflag:$0x6] =	stream.indirect.gather [hbm4b:s4+s22], $0x40, s20, s22, $0xb8;
	[tilespmem:$0x10800] =	vst v63  }
0x75: {  	s19 =	simm.s32 $0x680  }
0x76: {  	[tilespmem:s1], [sflag:$0x6] =	stream.indirect.gather [hbm4b:s4+s22], $0x40, s19, s22, $0xb8;
	[tilespmem:$0x10800] =	vst v63  }
0x77: {  	s19 =	simm.s32 $0x700  }
0x78: {  	[tilespmem:s28], [sflag:$0x6] =	stream.indirect.gather [hbm4b:s4+s22], $0x40, s19, s22, $0xb8;
	[tilespmem:$0x10800] =	vst v63  }
0x79: {  	_ = 	snop  }
0x7a: {  	[tilespmem:s7], [sflag:$0x6] =	stream.indirect.gather [hbm4b:s4+s22], $0x40, s0, s22, $0xb8;
	[tilespmem:$0x10800] =	vst v63  }
0x7b: {  	_ =	swait.ge [sflag:s8], $0x2000  }
0x7c: {  	[sflag:s8] =	ssyncset.done $0x0  }
0x7d: {  	[sflag:s8] =	ssyncadd.s32 $0xFFFFE000  }
0x7e: {  	_ =	swait.ge [sflag:s8], $0x2000  }
0x7f: {  	[sflag:s8] =	ssyncset.done $0x0  }
0x80: {  	[sflag:s8] =	ssyncadd.s32 $0xFFFFE000  }
0x81: {  	_ =	swait.ge [sflag:s8], $0x2000  }
0x82: {  	[sflag:s8] =	ssyncset.done $0x0  }
0x83: {  	[sflag:s8] =	ssyncadd.s32 $0xFFFFE000  }
0x84: {  	_ =	swait.ge [sflag:s8], $0x2000  }
0x85: {  	[sflag:s8] =	ssyncset.done $0x0  }
0x86: {  	s19 =	sadd.s32 s5, s12;
	[sflag:s8] =	ssyncadd.s32 $0xFFFFE000  }
0x87: {  	[hbm4b:s19+s2] =	stream.linear.scatter [tilespmem:s23], [sflag:$0x7], $0x8000, $0x38;
	[tilespmem:$0x10800] =	vst v63  }
0x88: {  	s15 =	simm.s32 @!p0 $0x400  }
0x89: {  	[tilespmem:s15], [sflag:$0x3] =	stream.linear.gather @!p0 [hbm4b:s29+s13], $0x200, $0x38;
	[tilespmem:$0x10800] =	vst v63  }
0x8a: {  	s15 =	simm.s32 @!p0 $0x7  }
0x8b: {  	_ =	swait.ge @!p0 [sflag:s15], $0x8000  }
0x8c: {  	[sflag:s15] =	ssyncset.done @!p0 $0x0  }
0x8d: {  	[sflag:s15] =	ssyncadd.s32 @!p0 $0xFFFF8000;
	s15 =	simm.s32 @!p0 $0x1  }
0x8e: {  	_ =	swait.ge @!p0 [sflag:s15], $0x200  }
0x8f: {  	[sflag:s15] =	ssyncset.done @!p0 $0x0  }
0x90: {  	s19 =	simm.s32 @!p0 $0x800;
	[sflag:s15] =	ssyncadd.s32 @!p0 $0xFFFFFE00;
	s15 =	simm.s32 @!p0 $0x80  }
0x91: {  	[tilespmem:s19], [sflag:$0x5] =	stream.indirect.gather @!p0 [hbm4b:s4+s15], $0x40, s13, s15, $0xb8;
	[tilespmem:$0x10800] =	vst v63  }
0x92: {  	s13 =	simm.s32 @!p0 $0x2800  }
0x93: {  	[tilespmem:s13], [sflag:$0x5] =	stream.indirect.gather @!p0 [hbm4b:s4+s15], $0x40, s15, s15, $0xb8;
	[tilespmem:$0x10800] =	vst v63  }
0x94: {  	s19 =	simm.s32 @!p0 $0x4800;
	s13 =	simm.s32 @!p0 $0x100  }
0x95: {  	[tilespmem:s19], [sflag:$0x5] =	stream.indirect.gather @!p0 [hbm4b:s4+s15], $0x40, s13, s15, $0xb8;
	[tilespmem:$0x10800] =	vst v63  }
0x96: {  	s13 =	simm.s32 @!p0 $0x180;
	s19 =	simm.s32 @!p0 $0x6800  }
0x97: {  	[tilespmem:s19], [sflag:$0x5] =	stream.indirect.gather @!p0 [hbm4b:s4+s15], $0x40, s13, s15, $0xb8;
	[tilespmem:$0x10800] =	vst v63  }
0x98: {  	_ =	swait.ge [sflag:s17], $0x2000  }
0x99: {  	[sflag:s17] =	ssyncset.done $0x0  }
0x9a: {  	[sflag:s17] =	ssyncadd.s32 $0xFFFFE000  }
0x9b: {  	_ =	swait.ge [sflag:s17], $0x2000  }
0x9c: {  	[sflag:s17] =	ssyncset.done $0x0  }
0x9d: {  	[sflag:s17] =	ssyncadd.s32 $0xFFFFE000  }
0x9e: {  	_ =	swait.ge [sflag:s17], $0x2000  }
0x9f: {  	[sflag:s17] =	ssyncset.done $0x0  }
.Ltmp2:
0xa0: {  	[sflag:s17] =	ssyncadd.s32 $0xFFFFE000;
	(pc) =	sbr.rel @p0 .LBB2_4-.Ltmp2, $4  }
0xa1: {  	_ =	swait.ge [sflag:s17], $0x2000  }
0xa2: {  	[sflag:s17] =	ssyncset.done $0x0  }
0xa3: {  	s19 =	sadd.s32 s5, s10;
	[sflag:s17] =	ssyncadd.s32 $0xFFFFE000  }
0xa4: {  	[hbm4b:s19+s2] =	stream.linear.scatter [tilespmem:s31], [sflag:$0x8], $0x8000, $0x38;
	[tilespmem:$0x10800] =	vst v63  }
0xa5: {  	[tilespmem:s20], [sflag:$0x4] =	stream.linear.gather [hbm4b:s6+s2], $0x200, $0x38;
	[tilespmem:$0x10800] =	vst v63  }
0xa6: {  	_ =	swait.ge [sflag:s21], $0x8000  }
0xa7: {  	[sflag:s21] =	ssyncset.done $0x0  }
0xa8: {  	[sflag:s21] =	ssyncadd.s32 $0xFFFF8000  }
0xa9: {  	_ =	swait.ge [sflag:s30], $0x200  }
0xaa: {  	[sflag:s30] =	ssyncset.done $0x0  }
0xab: {  	[sflag:s30] =	ssyncadd.s32 $0xFFFFFE00  }
0xac: {  	[tilespmem:s31], [sflag:$0x6] =	stream.indirect.gather [hbm4b:s4+s22], $0x40, s24, s22, $0xb8;
	[tilespmem:$0x10800] =	vst v63  }
0xad: {  	s13 =	simm.s32 $0x280  }
0xae: {  	[tilespmem:s1], [sflag:$0x6] =	stream.indirect.gather [hbm4b:s4+s22], $0x40, s13, s22, $0xb8;
	[tilespmem:$0x10800] =	vst v63  }
.Ltmp3:
0xaf: {  	s15 =	simm.s32 $0x300;
	(pc) =	sbr.rel .LBB2_2-.Ltmp3, $4  }
0xb0: {  	s19 =	simm.s32 $0x380;
	s5 =	sadd.s32 $0x4000, s5;
	s6 =	sadd.s32 $0x100, s6  }
0xb1: {  	[tilespmem:s28], [sflag:$0x6] =	stream.indirect.gather [hbm4b:s4+s22], $0x40, s15, s22, $0xb8;
	[tilespmem:$0x10800] =	vst v63  }
0xb2: {  	s29 =	sadd.s32 $0x100, s29;
	s25 =	sadd.s32 $0x100, s25;
	s26 =	sadd.s32 $0x800, s26  }
0xb3: {  	[tilespmem:s7], [sflag:$0x6] =	stream.indirect.gather [hbm4b:s4+s22], $0x40, s19, s22, $0xb8;
	[tilespmem:$0x10800] =	vst v63  }
.LBB2_5:
0xb4: {  	_ =	sfence.sel $0x180000  }
0xb5: {  	[bflag:$0x0] =	sbarrier.arrive $0xFFFF  }
0xb6: {  	_ =	strace $0x9000004A  }
0xb7: {  	s0 =	stileid.u32;
	[bflag:$0x2] =	sbarrier.arrive $0xFFFF  }
0xb8: {  	p0 =	sne.s32 s0, $0x0;
	s0 =	rddreg [dreg:$0x1]  }
0xb9: {  	s0 =	sadd.s32 @!p0 $0x100000, s0  }
0xba: {  	[sflag:s0] =	ssyncadd.tile.s32 @!p0 $0x1;
	_ =	shalt  }
.Lfunc_end2:
_tile_overlayer_lowered:
.L_overlay_start_2:
0xbb: {  	(tag) =	ssettag $0x2  }
0xbc: {  	s0 =	rddreg [dreg:$0x0];
	s2 =	stileid.u32  }
0xbd: {  	s1 =	rddreg [dreg:$0x1];
	p0 =	sne.s32 s2, $0x0  }
0xbe: {  	s3 =	rddreg [dreg:$0x2];
	[bflag:$0x3] =	sbarrier.arrive $0xFFFF;
	s2 =	simm.s32 @!p0 $0x1C09  }
0xbf: {  	[timem:s3], [sflag:s2] =	dma.local @!p0 [hbm:s0], s1  }
0xc0: {  	s0 =	simm.s32 @!p0 $0x9  }
0xc1: {  	_ =	swait.ge @!p0 [sflag:s0], s1  }
0xc2: {  	s1 =	ssub.s32 @!p0 $0x0, s1;
	[sflag:s0] =	ssyncset.done @!p0 $0x0  }
0xc3: {  	[sflag:s0] =	ssyncadd.s32 @!p0 s1  }
0xc4: {  	[bflag:$0x3] =	sbarrier.arrive $0xFFFF  }
0xc5: {  	_ =	shalt  }

// kernel: kernel.7.cloned.1.call-start
scs
__scs_entry_jumppad:
0x0: {  	(pc) =	sbr.rel $0x88, $3  }
0x1: {  	(tag) =	ssettag $0x0;
	lr =	simm.s32 $0x1  }
0x2: {  	[smem:$0x3F9F] =	sst lr;
	_ =	strace $0xD0000000  }
0x3: {  	_ = 	snop  }
0x4: {  	_ = 	snop  }
0x5: {  	_ = 	snop  }
0x6: {  	_ = 	snop  }
0x7: {  	_ = 	snop  }
__scs_overlays_trampoline_lowered:
0x8: {  	[smem:$0x3FAE] =	sst s0  }
0x9: {  	[smem:$0x3FAF] =	sst s1  }
0xa: {  	[smem:$0x3FB0] =	sst s2  }
0xb: {  	[smem:$0x3FB1] =	sst s3  }
0xc: {  	[smem:$0x3FB2] =	sst s4  }
0xd: {  	[smem:$0x3FB3] =	sst s5  }
0xe: {  	[smem:$0x3FB4] =	sst s6  }
0xf: {  	[smem:$0x3FB5] =	sst s7  }
0x10: {  	[smem:$0x3FB6] =	sst s8  }
0x11: {  	[smem:$0x3FB7] =	sst s9;
	s0 =	simm.s32 @!p0 $0x0  }
0x12: {  	s1 =	sld [smem:$0x3F9D];
	s0 =	simm.s32 @p0 $0x1  }
0x13: {  	[smem:$0x3FB8] =	sst s0;
	s0 =	simm.s32 @!p1 $0x0  }
0x14: {  	s2 =	sld [smem:$0x3F9C];
	s0 =	simm.s32 @p1 $0x1  }
0x15: {  	[smem:$0x3FB9] =	sst s0;
	s0 =	simm.s32 @!p2 $0x0  }
0x16: {  	s3 =	sld [smem:$0x3FDB];
	s0 =	simm.s32 @p2 $0x1  }
0x17: {  	s4 =	simm.s32 $0x1BF5;
	[smem:$0x3FBB] =	sst s0  }
0x18: {  	s0 =	sld [smem:$0x3F9E];
	_ =	swait.ge [sflag:s4], $0x0  }
0x19: {  	s7 =	sld [smem:$0x3F9F]  }
0x1a: {  	s8 =	sadd.s32 $0xFFFFE003, lr  }
0x1b: {  	s9 =	sadd.s32 $0xFFFFFEF7, lr;
	s5 =	simm.s32 $0xFFFFFFFF;
	p2 =	slt.u32 s8, $0xFFFFF086  }
0x1c: {  	p1 =	slt.u32 s9, $0xF7A;
	s5 =	simm.s32 @!p2 $0x0  }
0x1d: {  	s5 =	simm.s32 @p1 $0x1;
	p0 =	seq.s32 s7, s2  }
0x1e: {  	s7 =	smul.u32 @!p0 $0xF7A, s2;
	p2 =	seq.s32 @!p0 s5, $0x0  }
0x1f: {  	s9 =	smul.u32 $0xF7A, s1;
	s8 =	simm.s32 @!p0 $0x1BF5;
	p2 =	por !p2, p0  }
0x20: {  	[sflag:s8] =	ssyncset.s32 @!p0 $0xFFFFF086;
	s6 =	sadd.s32 @!p0 s3, s7;
	s7 =	simm.s32 @!p0 $0x108  }
0x21: {  	s3 =	sadd.s32 s3, s9;
	s6 =	sadd.s32 @!p0 $0x88, s6;
	s7 =	simm.s32 @p2 $0x1082  }
0x22: {  	[simem:s7], [sflag:s8] =	dma.local @!p0 [hbm:s6], $0xF7A  }
0x23: {  	s9 =	sor.u32 $0xD0000000, s2;
	s6 =	simm.s32 $0x108;
	_ =	swait.ge @!p0 [sflag:s8], $0x0  }
0x24: {  	s3 =	sadd.s32 $0x88, s3;
	s6 =	simm.s32 @!p1 $0x1082;
	[sflag:s4] =	ssyncset.s32 $0xFFFFF086  }
0x25: {  	[simem:s6], [sflag:s4] =	dma.local [hbm:s3], $0xF7A  }
0x26: {  	[smem:$0x3F9F] =	sst s1;
	(tag) =	ssettag s2;
	_ =	strace s9  }
0x27: {  	s1 =	sld [smem:$0x3FAF]  }
0x28: {  	s2 =	sld [smem:$0x3FB0]  }
0x29: {  	s4 =	sld [smem:$0x3FB2]  }
0x2a: {  	p0 =	seq.s32 s5, $0x0;
	s5 =	sld [smem:$0x3FB3]  }
0x2b: {  	s6 =	sld [smem:$0x3FB4]  }
0x2c: {  	s7 =	sld [smem:$0x3FB5]  }
0x2d: {  	s3 =	simm.s32 $0x108;
	s8 =	sld [smem:$0x3FB6]  }
0x2e: {  	s3 =	simm.s32 @!p0 $0x1082;
	s9 =	sld [smem:$0x3FB7]  }
0x2f: {  	lr =	sadd.s32 s0, s3;
	s0 =	sld [smem:$0x3FAE]  }
0x30: {  	s3 =	sld [smem:$0x3FB1]  }
0x31: {  	[smem:$0x3FBA] =	sst s10  }
0x32: {  	s10 =	sld [smem:$0x3FB8];
	_ =	sdelay $0x3  }
0x33: {  	p0 =	seq.s32 s10, $0x1;
	s10 =	sld [smem:$0x3FBA];
	_ =	sdelay $0x3  }
0x34: {  	[smem:$0x3FBA] =	sst s10  }
0x35: {  	s10 =	sld [smem:$0x3FB9];
	_ =	sdelay $0x3  }
0x36: {  	p1 =	seq.s32 s10, $0x1;
	s10 =	sld [smem:$0x3FBA];
	_ =	sdelay $0x3  }
0x37: {  	[smem:$0x3FBA] =	sst s10  }
0x38: {  	s10 =	sld [smem:$0x3FBB]  }
0x39: {  	_ = 	snop;
	(pc) =	sbr.ind lr, $3  }
0x3a: {  	_ = 	snop  }
0x3b: {  	_ = 	snop  }
0x3c: {  	p2 =	seq.s32 s10, $0x1;
	s10 =	sld [smem:$0x3FBA]  }
0x3d: {  	_ =	shalt  }
0x3e: {  	_ =	shalt  }
0x3f: {  	_ =	shalt  }
0x40: {  	_ =	shalt  }
0x41: {  	_ =	shalt  }
0x42: {  	_ =	shalt  }
0x43: {  	_ =	shalt  }
0x44: {  	_ =	shalt  }
0x45: {  	_ =	shalt  }
0x46: {  	_ =	shalt  }
0x47: {  	_ =	shalt  }
0x48: {  	_ =	shalt  }
0x49: {  	_ =	shalt  }
0x4a: {  	_ =	shalt  }
0x4b: {  	_ =	shalt  }
0x4c: {  	_ =	shalt  }
0x4d: {  	_ =	shalt  }
0x4e: {  	_ =	shalt  }
0x4f: {  	_ =	shalt  }
0x50: {  	_ =	shalt  }
0x51: {  	_ =	shalt  }
0x52: {  	_ =	shalt  }
0x53: {  	_ =	shalt  }
0x54: {  	_ =	shalt  }
0x55: {  	_ =	shalt  }
0x56: {  	_ =	shalt  }
0x57: {  	_ =	shalt  }
0x58: {  	_ =	shalt  }
0x59: {  	_ =	shalt  }
0x5a: {  	_ =	shalt  }
0x5b: {  	_ =	shalt  }
0x5c: {  	_ =	shalt  }
0x5d: {  	_ =	shalt  }
0x5e: {  	_ =	shalt  }
0x5f: {  	_ =	shalt  }
0x60: {  	_ =	shalt  }
0x61: {  	_ =	shalt  }
0x62: {  	_ =	shalt  }
0x63: {  	_ =	shalt  }
0x64: {  	_ =	shalt  }
0x65: {  	_ =	shalt  }
0x66: {  	_ =	shalt  }
0x67: {  	_ =	shalt  }
0x68: {  	_ =	shalt  }
0x69: {  	_ =	shalt  }
0x6a: {  	_ =	shalt  }
0x6b: {  	_ =	shalt  }
0x6c: {  	_ =	shalt  }
0x6d: {  	_ =	shalt  }
0x6e: {  	_ =	shalt  }
0x6f: {  	_ =	shalt  }
0x70: {  	_ =	shalt  }
0x71: {  	_ =	shalt  }
0x72: {  	_ =	shalt  }
0x73: {  	_ =	shalt  }
0x74: {  	_ =	shalt  }
0x75: {  	_ =	shalt  }
0x76: {  	_ =	shalt  }
0x77: {  	_ =	shalt  }
0x78: {  	_ =	shalt  }
0x79: {  	_ =	shalt  }
0x7a: {  	_ =	shalt  }
0x7b: {  	_ =	shalt  }
0x7c: {  	_ =	shalt  }
0x7d: {  	_ =	shalt  }
0x7e: {  	_ =	shalt  }
0x7f: {  	_ =	shalt  }
0x80: {  	_ =	shalt  }
0x81: {  	_ =	shalt  }
0x82: {  	_ =	shalt  }
0x83: {  	_ =	shalt  }
0x84: {  	_ =	shalt  }
0x85: {  	_ =	shalt  }
0x86: {  	_ =	shalt  }
0x87: {  	_ =	shalt  }
.Lfunc_end0:
.L_simem_size_0:
called_computation.2_lowered:
.L_overlay_start_0:
0x88: {  	s2 =	sld [smem:$0x3FD9]  }
0x89: {  	s3 =	sld [smem:$0x3FFE];
	_ =	sdelay $0x1  }
0x8a: {  	s1 =	srdreg.scid  }
0x8b: {  	s0 =	sand.u32 $0x1, s1  }
0x8c: {  	s16 =	sshll.u32 s0, $0xA;
	s2 =	sadd.s32 s3, s2  }
0x8d: {  	s2 =	sadd.s32 s2, s16  }
0x8e: {  	[smem:$0x3FC6] =	sst s2  }
0x8f: {  	_ = 	snop  }
0x90: {  	(tm) =	ssettm $0x1  }
0x91: {  	s17 =	sld [smem:$0x3FFB];
	_ =	sdelay $0x3  }
0x92: {  	_ =	strace s17  }
0x93: {  	s2 =	sld [smem:$0x3FFC];
	_ =	sdelay $0x3  }
0x94: {  	_ =	strace s2  }
0x95: {  	s2 =	sld [smem:$0x3FFD];
	_ =	sdelay $0x3  }
0x96: {  	_ =	strace s2  }
0x97: {  	_ =	strace $0x8FFFFFFF  }
0x98: {  	s18 =	sld [smem:$0x3FDB];
	_ =	sdelay $0x1  }
0x99: {  	s19 =	simm.s32 $_scs_section_size  }
0x9a: {  	s4 =	simm.s32 $_size__tile_overlayer_lowered;
	s5 =	simm.s32 $_tile_overlayer_lowered  }
0x9b: {  	s22 =	simm.s32 $0x1BFF;
	s21 =	sshll.u32 s5, $0x1;
	s2 =	sadd.s32 s19, s18  }
0x9c: {  	s6 =	simm.s32 $0x0;
	s20 =	sshll.u32 s4, $0x1;
	s4 =	sadd.s32 s21, s2  }
0x9d: {  	[timem:s6], [sflag:s22] =	dma.local [hbm:s4], s20  }
0x9e: {  	_ =	swait.ge [sflag:s22], s20  }
0x9f: {  	s3 =	ssub.s32 $0x0, s20;
	[sflag:s22] =	ssyncset.done $0x0  }
0xa0: {  	[sflag:s22] =	ssyncadd.s32 s3;
	_ =	sdelay $0x1  }
0xa1: {  	s23 =	simm.s32 $0x1B8B  }
0xa2: {  	_ =	swait.ge [sflag:s23], $0x1  }
0xa3: {  	[sflag:s23] =	ssyncset.done $0x0  }
0xa4: {  	s25 =	simm.s32 $0x1B8E;
	s24 =	sld [smem:$0x3FFE];
	[sflag:s23] =	ssyncadd.s32 $0xFFFFFFFF  }
0xa5: {  	s26 =	simm.s32 $execute0_lowered;
	[smem:$0x3FD2] =	sst s25  }
0xa6: {  	s4 =	sshll.u32 s26, $0x1;
	_ =	strace $0x80000046;
	[dreg:$0x1] =	wrdreg $0xFFFFFFFF  }
0xa7: {  	s28 =	simm.s32 $_size_execute0_lowered;
	s2 =	sadd.s32 s2, s4;
	[dreg:$0x0] =	wrdreg $0x0  }
0xa8: {  	s4 =	sshll.u32 s28, $0x1;
	[dreg:$0x2] =	wrdreg s2  }
0xa9: {  	[dreg:$0x3] =	wrdreg s4  }
0xaa: {  	[dreg:$0x4] =	wrdreg $0xC0  }
0xab: {  	_ =	task [dreg:s6], $0x5FFFF  }
0xac: {  	[dreg:$0x1] =	wrdreg $0xFFFFFFFF  }
0xad: {  	[dreg:$0x0] =	wrdreg $0x60  }
0xae: {  	[dreg:$0x2] =	wrdreg s24  }
0xaf: {  	[dreg:$0x3] =	wrdreg $0xA  }
0xb0: {  	_ =	task.clear_ibuf [dreg:s6], $0x4FFFF;
	_ =	strace $0x90000046  }
0xb1: {  	s29 =	simm.s32 $0xA;
	_ =	strace $0x80000048  }
0xb2: {  	_ =	swait.ge [sflag:s29], $0x1  }
0xb3: {  	[sflag:s29] =	ssyncadd.s32 $0xFFFFFFFF  }
0xb4: {  	_ =	strace $0x90000048  }
0xb5: {  	_ =	sfence  }
0xb6: {  	s30 =	sld [smem:$0x0];
	_ =	sdelay $0x2  }
0xb7: {  	s31 =	sshll.u32 s1, $0xD;
	s1 =	sshrl.u32 s1, $0x2  }
0xb8: {  	s3 =	sand.u32 $0x4000, s31;
	s1 =	sadd.s32 s1, s30  }
0xb9: {  	s0 =	sor.u32 s3, s0;
	s1 =	sshll.u32 s1, $0x11  }
0xba: {  	s0 =	sor.u32 s1, s0  }
0xbb: {  	s0 =	sadd.s32 $0x8F2B, s0  }
0xbc: {  	[sflag:s0] =	ssyncadd.remote.s32 $0x1  }
0xbd: {  	_ =	sfence.sel $0xFFFF  }
0xbe: {  	[dreg:$0x0] =	wrdreg $0xFFFFFFFF;
	(pc) =	sbr.abs _section_cstart, $3  }
0xbf: {  	[dreg:$0x1] =	wrdreg $0xFFFFFFFF  }
0xc0: {  	_ =	task.clear_ibuf [dreg:s6], $0x2FFFF;
	_ =	strace $0x9FFFFFFF  }
0xc1: {  	(tm) =	ssettm $0x7FFFFFFF  }
tec
execute0_lowered:
.L_overlay_start_1:
0x0: {  	(tag) =	ssettag $0x1  }
0x1: {  	s0 =	rddreg [dreg:$0x0];
	s1 =	srdreg.scid  }
0x2: {  	s11 =	stileid.u32;
	s2 =	simm.s32 $0x0;
	s30 =	simm.s32 $0x2  }
0x3: {  	s31 =	simm.s32 $0x8800;
	s28 =	simm.s32 $0xC800;
	s6 =	smul.u32 $0x19000, s11  }
0x4: {  	s1 =	sand.u32 $0x1, s1;
	s3 =	sshll.u32 s11, $0x1;
	s24 =	smul.u32 $0xC8000, s11  }
0x5: {  	[smem:$0x7FF] =	sst s2;
	s4 =	sadd.s32 $0x33000, s0;
	s8 =	smul.u32 $0xC800, s1  }
0x6: {  	s3 =	sor.u32 s1, s3;
	s7 =	ssub.s32 $0x2, s1;
	s1 =	smul.u32 $0x64000, s1  }
0x7: {  	s11 =	simm.s32 $0x3;
	_ =	strace $0x80000047;
	s5 =	smul.u32 $0xC800, s3  }
0x8: {  	s3 =	sadd.s32 $0x1000, s0;
	s0 =	sadd.s32 $0x7D4200, s0;
	s9 =	sshrl.u32 s7, $0x1  }
0x9: {  	s17 =	ssub.s32 s7, s9;
	s6 =	sadd.s32 s8, s6;
	s9 =	simm.s32 $0x7  }
0xa: {  	s5 =	sshrl.u32 s5, $0x3;
	s20 =	sshll.u32 s6, $0x3;
	s8 =	sadd.s32 $0xE00, s6  }
0xb: {  	s23 =	sadd.s32 $0xC00, s6;
	s25 =	sadd.s32 $0xA00, s6;
	s29 =	sadd.s32 $0x800, s6  }
0xc: {  	s6 =	simm.s32 $0x0;
	s10 =	sadd.s32 s3, s5;
	s7 =	sadd.s32 s20, s0  }
0xd: {  	s8 =	sshrl.u32 s8, $0x3;
	s5 =	smax.u32 s17, $0x1;
	s26 =	sshrl.u32 s25, $0x3  }
0xe: {  	s0 =	sadd.s32 s24, s0;
	[dreg:$0xa] =	wrdreg s29;
	s20 =	simm.s32 $0x600  }
0xf: {  	s17 =	simm.s32 $0x6;
	s24 =	simm.s32 $0x200;
	s18 =	sadd.s32 $0x40, s10  }
0x10: {  	s19 =	sadd.s32 $0x80, s10;
	[dreg:$0x2] =	wrdreg s10;
	s21 =	sadd.s32 $0xC0, s10  }
0x11: {  	[dreg:$0x6] =	wrdreg s5;
	s10 =	sadd.s32 $0x3000, s7;
	s22 =	sadd.s32 s8, s3  }
0x12: {  	s12 =	sadd.s32 $0x2000, s7;
	s5 =	sshrl.u32 s23, $0x3;
	s14 =	sadd.s32 $0x1000, s7  }
0x13: {  	s16 =	sadd.s32 s1, s0;
	s23 =	simm.s32 $0x800;
	[dreg:$0x3] =	wrdreg s18  }
.Ltmp0:
0x14: {  	s1 =	simm.s32 $0xA800;
	[dreg:$0x4] =	wrdreg s19;
	(pc) =	sbr.rel .LBB2_1-.Ltmp0, $4  }
0x15: {  	s7 =	simm.s32 $0xE800;
	s8 =	simm.s32 $0x5;
	[dreg:$0x5] =	wrdreg s21  }
0x16: {  	s0 =	simm.s32 $0x780;
	[dreg:$0x7] =	wrdreg s22;
	s5 =	sadd.s32 s5, s3  }
0x17: {  	s22 =	simm.s32 $0x80;
	[dreg:$0x8] =	wrdreg s5;
	s5 =	sadd.s32 s26, s3  }
0x18: {  	s21 =	simm.s32 $0x8;
	s18 =	simm.s32 $0x4;
	[dreg:$0x9] =	wrdreg s5  }
.LBB2_4:
0x19: {  	_ =	swait.ge [sflag:s9], $0x8000  }
0x1a: {  	[sflag:s9] =	ssyncset.done $0x0  }
0x1b: {  	[sflag:s9] =	ssyncadd.s32 $0xFFFF8000  }
0x1c: {  	_ =	swait.ge [sflag:s21], $0x8000  }
0x1d: {  	s6 =	rddreg [dreg:$0xb]  }
0x1e: {  	s5 =	rddreg [dreg:$0x6];
	s6 =	sadd.s32 $0x1, s6  }
0x1f: {  	p0 =	sne.s32 s6, s5  }
.Ltmp1:
0x20: {  	_ = 	snop;
	(pc) =	sbr.rel @!p0 .LBB2_5-.Ltmp1, $3  }
0x21: {  	_ =	sdelay $0x1  }
0x22: {  	[sflag:s21] =	ssyncset.done $0x0  }
0x23: {  	[sflag:s21] =	ssyncadd.s32 $0xFFFF8000  }
.LBB2_1:
0x24: {  	[dreg:$0xb] =	wrdreg s6  }
0x25: {  	s5 =	rddreg [dreg:$0x2]  }
0x26: {  	[tilespmem:s2], [sflag:$0x1] =	stream.linear.gather [hbm4b:s5+s2], $0x200, $0x38;
	[tilespmem:$0x10800] =	vst v63  }
0x27: {  	s25 =	rddreg [dreg:$0x3];
	s6 =	simm.s32 $0x200  }
0x28: {  	[tilespmem:s6], [sflag:$0x2] =	stream.linear.gather [hbm4b:s25+s2], $0x200, $0x38;
	[tilespmem:$0x10800] =	vst v63  }
0x29: {  	s26 =	rddreg [dreg:$0x4];
	s13 =	simm.s32 $0x400  }
0x2a: {  	[tilespmem:s13], [sflag:$0x3] =	stream.linear.gather [hbm4b:s26+s2], $0x200, $0x38;
	[tilespmem:$0x10800] =	vst v63  }
0x2b: {  	s15 =	simm.s32 $0x1;
	s13 =	rddreg [dreg:$0x5]  }
0x2c: {  	[tilespmem:s20], [sflag:$0x4] =	stream.linear.gather [hbm4b:s13+s2], $0x200, $0x38;
	[tilespmem:$0x10800] =	vst v63  }
0x2d: {  	_ =	swait.ge [sflag:s15], $0x200  }
0x2e: {  	[sflag:s15] =	ssyncset.done $0x0  }
0x2f: {  	[sflag:s15] =	ssyncadd.s32 $0xFFFFFE00  }
0x30: {  	[tilespmem:s23], [sflag:$0x5] =	stream.indirect.gather [hbm4b:s4+s22], $0x40, s2, s22, $0xb8;
	[tilespmem:$0x10800] =	vst v63  }
0x31: {  	s19 =	simm.s32 $0x2800  }
0x32: {  	[tilespmem:s19], [sflag:$0x5] =	stream.indirect.gather [hbm4b:s4+s22], $0x40, s22, s22, $0xb8;
	[tilespmem:$0x10800] =	vst v63  }
0x33: {  	s25 =	simm.s32 $0x100;
	s26 =	simm.s32 $0x4800  }
0x34: {  	[tilespmem:s26], [sflag:$0x5] =	stream.indirect.gather [hbm4b:s4+s22], $0x40, s25, s22, $0xb8;
	[tilespmem:$0x10800] =	vst v63  }
0x35: {  	s13 =	simm.s32 $0x180;
	s15 =	simm.s32 $0x6800  }
0x36: {  	[tilespmem:s15], [sflag:$0x5] =	stream.indirect.gather [hbm4b:s4+s22], $0x40, s13, s22, $0xb8;
	[tilespmem:$0x10800] =	vst v63  }
0x37: {  	_ =	swait.ge [sflag:s30], $0x200  }
0x38: {  	[sflag:s30] =	ssyncset.done $0x0  }
0x39: {  	[sflag:s30] =	ssyncadd.s32 $0xFFFFFE00  }
0x3a: {  	[tilespmem:s31], [sflag:$0x6] =	stream.indirect.gather [hbm4b:s4+s22], $0x40, s6, s22, $0xb8;
	[tilespmem:$0x10800] =	vst v63  }
0x3b: {  	s19 =	simm.s32 $0x280;
	s29 =	rddreg [dreg:$0x8]  }
0x3c: {  	[tilespmem:s1], [sflag:$0x6] =	stream.indirect.gather [hbm4b:s4+s22], $0x40, s19, s22, $0xb8;
	[tilespmem:$0x10800] =	vst v63  }
0x3d: {  	s25 =	simm.s32 $0x300;
	s6 =	rddreg [dreg:$0x7]  }
0x3e: {  	[tilespmem:s28], [sflag:$0x6] =	stream.indirect.gather [hbm4b:s4+s22], $0x40, s25, s22, $0xb8;
	[tilespmem:$0x10800] =	vst v63  }
0x3f: {  	s26 =	simm.s32 $0x380;
	s25 =	rddreg [dreg:$0x9]  }
0x40: {  	[tilespmem:s7], [sflag:$0x6] =	stream.indirect.gather [hbm4b:s4+s22], $0x40, s26, s22, $0xb8;
	[tilespmem:$0x10800] =	vst v63  }
0x41: {  	s5 =	simm.s32 $0x0;
	s26 =	rddreg [dreg:$0xa]  }
.LBB2_2:
0x42: {  	_ =	swait.ge [sflag:s8], $0x2000  }
0x43: {  	[sflag:s8] =	ssyncset.done $0x0  }
0x44: {  	[sflag:s8] =	ssyncadd.s32 $0xFFFFE000  }
0x45: {  	_ =	swait.ge [sflag:s8], $0x2000  }
0x46: {  	[sflag:s8] =	ssyncset.done $0x0  }
0x47: {  	[sflag:s8] =	ssyncadd.s32 $0xFFFFE000  }
0x48: {  	_ =	swait.ge [sflag:s8], $0x2000  }
0x49: {  	[sflag:s8] =	ssyncset.done $0x0  }
0x4a: {  	[sflag:s8] =	ssyncadd.s32 $0xFFFFE000  }
0x4b: {  	_ =	swait.ge [sflag:s8], $0x2000  }
0x4c: {  	[sflag:s8] =	ssyncset.done $0x0  }
0x4d: {  	s13 =	sadd.s32 s5, s16;
	p0 =	seq.s32 s5, $0x60000;
	[sflag:s8] =	ssyncadd.s32 $0xFFFFE000  }
0x4e: {  	[hbm4b:s13+s2] =	stream.linear.scatter [tilespmem:s23], [sflag:$0x7], $0x8000, $0x38;
	[tilespmem:$0x10800] =	vst v63  }
0x4f: {  	s13 =	sshrl.u32 @!p0 s26, $0x3  }
0x50: {  	s15 =	sadd.s32 @!p0 s3, s13;
	s13 =	simm.s32 @!p0 $0x0  }
0x51: {  	[tilespmem:s13], [sflag:$0x1] =	stream.linear.gather @!p0 [hbm4b:s15+s13], $0x200, $0x38;
	[tilespmem:$0x10800] =	vst v63  }
0x52: {  	_ =	swait.ge [sflag:s9], $0x8000  }
0x53: {  	[sflag:s9] =	ssyncset.done $0x0  }
0x54: {  	[sflag:s9] =	ssyncadd.s32 $0xFFFF8000  }
0x55: {  	_ =	swait.ge [sflag:s11], $0x200  }
0x56: {  	[sflag:s11] =	ssyncset.done $0x0  }
0x57: {  	s19 =	simm.s32 $0x400;
	[sflag:s11] =	ssyncadd.s32 $0xFFFFFE00  }
0x58: {  	[tilespmem:s23], [sflag:$0x5] =	stream.indirect.gather [hbm4b:s4+s22], $0x40, s19, s22, $0xb8;
	[tilespmem:$0x10800] =	vst v63  }
0x59: {  	s15 =	simm.s32 $0x2800;
	s19 =	simm.s32 $0x480  }
0x5a: {  	[tilespmem:s15], [sflag:$0x5] =	stream.indirect.gather [hbm4b:s4+s22], $0x40, s19, s22, $0xb8;
	[tilespmem:$0x10800] =	vst v63  }
0x5b: {  	s15 =	simm.s32 $0x4800;
	s19 =	simm.s32 $0x500  }
0x5c: {  	[tilespmem:s15], [sflag:$0x5] =	stream.indirect.gather [hbm4b:s4+s22], $0x40, s19, s22, $0xb8;
	[tilespmem:$0x10800] =	vst v63  }
0x5d: {  	s15 =	simm.s32 $0x6800;
	s19 =	simm.s32 $0x580  }
0x5e: {  	[tilespmem:s15], [sflag:$0x5] =	stream.indirect.gather [hbm4b:s4+s22], $0x40, s19, s22, $0xb8;
	[tilespmem:$0x10800] =	vst v63  }
0x5f: {  	_ =	swait.ge [sflag:s17], $0x2000  }
0x60: {  	[sflag:s17] =	ssyncset.done $0x0  }
0x61: {  	[sflag:s17] =	ssyncadd.s32 $0xFFFFE000  }
0x62: {  	_ =	swait.ge [sflag:s17], $0x2000  }
0x63: {  	[sflag:s17] =	ssyncset.done $0x0  }
0x64: {  	[sflag:s17] =	ssyncadd.s32 $0xFFFFE000  }
0x65: {  	_ =	swait.ge [sflag:s17], $0x2000  }
0x66: {  	[sflag:s17] =	ssyncset.done $0x0  }
0x67: {  	[sflag:s17] =	ssyncadd.s32 $0xFFFFE000  }
0x68: {  	_ =	swait.ge [sflag:s17], $0x2000  }
0x69: {  	[sflag:s17] =	ssyncset.done $0x0  }
0x6a: {  	s19 =	sadd.s32 s5, s14;
	[sflag:s17] =	ssyncadd.s32 $0xFFFFE000  }
0x6b: {  	[hbm4b:s19+s2] =	stream.linear.scatter [tilespmem:s31], [sflag:$0x8], $0x8000, $0x38;
	[tilespmem:$0x10800] =	vst v63  }
0x6c: {  	s15 =	simm.s32 @!p0 $0x200  }
0x6d: {  	[tilespmem:s15], [sflag:$0x2] =	stream.linear.gather @!p0 [hbm4b:s25+s13], $0x200, $0x38;
	[tilespmem:$0x10800] =	vst v63  }
0x6e: {  	_ =	swait.ge [sflag:s21], $0x8000  }
0x6f: {  	[sflag:s21] =	ssyncset.done $0x0  }
0x70: {  	[sflag:s21] =	ssyncadd.s32 $0xFFFF8000  }
0x71: {  	_ =	swait.ge [sflag:s18], $0x200  }
0x72: {  	[sflag:s18] =	ssyncset.done $0x0  }
0x73: {  	[sflag:s18] =	ssyncadd.s32 $0xFFFFFE00  }
0x74: {  	[tilespmem:s31], [sflag:$0x6] =	stream.indirect.gather [hbm4b:s4+s22], $0x40, s20, s22, $0xb8;
	[tilespmem:$0x10800] =	vst v63  }
0x75: {  	s19 =	simm.s32 $0x680  }
0x76: {  	[tilespmem:s1], [sflag:$0x6] =	stream.indirect.gather [hbm4b:s4+s22], $0x40, s19, s22, $0xb8;
	[tilespmem:$0x10800] =	vst v63  }
0x77: {  	s19 =	simm.s32 $0x700  }
0x78: {  	[tilespmem:s28], [sflag:$0x6] =	stream.indirect.gather [hbm4b:s4+s22], $0x40, s19, s22, $0xb8;
	[tilespmem:$0x10800] =	vst v63  }
0x79: {  	_ = 	snop  }
0x7a: {  	[tilespmem:s7], [sflag:$0x6] =	stream.indirect.gather [hbm4b:s4+s22], $0x40, s0, s22, $0xb8;
	[tilespmem:$0x10800] =	vst v63  }
0x7b: {  	_ =	swait.ge [sflag:s8], $0x2000  }
0x7c: {  	[sflag:s8] =	ssyncset.done $0x0  }
0x7d: {  	[sflag:s8] =	ssyncadd.s32 $0xFFFFE000  }
0x7e: {  	_ =	swait.ge [sflag:s8], $0x2000  }
0x7f: {  	[sflag:s8] =	ssyncset.done $0x0  }
0x80: {  	[sflag:s8] =	ssyncadd.s32 $0xFFFFE000  }
0x81: {  	_ =	swait.ge [sflag:s8], $0x2000  }
0x82: {  	[sflag:s8] =	ssyncset.done $0x0  }
0x83: {  	[sflag:s8] =	ssyncadd.s32 $0xFFFFE000  }
0x84: {  	_ =	swait.ge [sflag:s8], $0x2000  }
0x85: {  	[sflag:s8] =	ssyncset.done $0x0  }
0x86: {  	s19 =	sadd.s32 s5, s12;
	[sflag:s8] =	ssyncadd.s32 $0xFFFFE000  }
0x87: {  	[hbm4b:s19+s2] =	stream.linear.scatter [tilespmem:s23], [sflag:$0x7], $0x8000, $0x38;
	[tilespmem:$0x10800] =	vst v63  }
0x88: {  	s15 =	simm.s32 @!p0 $0x400  }
0x89: {  	[tilespmem:s15], [sflag:$0x3] =	stream.linear.gather @!p0 [hbm4b:s29+s13], $0x200, $0x38;
	[tilespmem:$0x10800] =	vst v63  }
0x8a: {  	s15 =	simm.s32 @!p0 $0x7  }
0x8b: {  	_ =	swait.ge @!p0 [sflag:s15], $0x8000  }
0x8c: {  	[sflag:s15] =	ssyncset.done @!p0 $0x0  }
0x8d: {  	[sflag:s15] =	ssyncadd.s32 @!p0 $0xFFFF8000;
	s15 =	simm.s32 @!p0 $0x1  }
0x8e: {  	_ =	swait.ge @!p0 [sflag:s15], $0x200  }
0x8f: {  	[sflag:s15] =	ssyncset.done @!p0 $0x0  }
0x90: {  	s19 =	simm.s32 @!p0 $0x800;
	[sflag:s15] =	ssyncadd.s32 @!p0 $0xFFFFFE00;
	s15 =	simm.s32 @!p0 $0x80  }
0x91: {  	[tilespmem:s19], [sflag:$0x5] =	stream.indirect.gather @!p0 [hbm4b:s4+s15], $0x40, s13, s15, $0xb8;
	[tilespmem:$0x10800] =	vst v63  }
0x92: {  	s13 =	simm.s32 @!p0 $0x2800  }
0x93: {  	[tilespmem:s13], [sflag:$0x5] =	stream.indirect.gather @!p0 [hbm4b:s4+s15], $0x40, s15, s15, $0xb8;
	[tilespmem:$0x10800] =	vst v63  }
0x94: {  	s19 =	simm.s32 @!p0 $0x4800;
	s13 =	simm.s32 @!p0 $0x100  }
0x95: {  	[tilespmem:s19], [sflag:$0x5] =	stream.indirect.gather @!p0 [hbm4b:s4+s15], $0x40, s13, s15, $0xb8;
	[tilespmem:$0x10800] =	vst v63  }
0x96: {  	s13 =	simm.s32 @!p0 $0x180;
	s19 =	simm.s32 @!p0 $0x6800  }
0x97: {  	[tilespmem:s19], [sflag:$0x5] =	stream.indirect.gather @!p0 [hbm4b:s4+s15], $0x40, s13, s15, $0xb8;
	[tilespmem:$0x10800] =	vst v63  }
0x98: {  	_ =	swait.ge [sflag:s17], $0x2000  }
0x99: {  	[sflag:s17] =	ssyncset.done $0x0  }
0x9a: {  	[sflag:s17] =	ssyncadd.s32 $0xFFFFE000  }
0x9b: {  	_ =	swait.ge [sflag:s17], $0x2000  }
0x9c: {  	[sflag:s17] =	ssyncset.done $0x0  }
0x9d: {  	[sflag:s17] =	ssyncadd.s32 $0xFFFFE000  }
0x9e: {  	_ =	swait.ge [sflag:s17], $0x2000  }
0x9f: {  	[sflag:s17] =	ssyncset.done $0x0  }
.Ltmp2:
0xa0: {  	[sflag:s17] =	ssyncadd.s32 $0xFFFFE000;
	(pc) =	sbr.rel @p0 .LBB2_4-.Ltmp2, $4  }
0xa1: {  	_ =	swait.ge [sflag:s17], $0x2000  }
0xa2: {  	[sflag:s17] =	ssyncset.done $0x0  }
0xa3: {  	s19 =	sadd.s32 s5, s10;
	[sflag:s17] =	ssyncadd.s32 $0xFFFFE000  }
0xa4: {  	[hbm4b:s19+s2] =	stream.linear.scatter [tilespmem:s31], [sflag:$0x8], $0x8000, $0x38;
	[tilespmem:$0x10800] =	vst v63  }
0xa5: {  	[tilespmem:s20], [sflag:$0x4] =	stream.linear.gather [hbm4b:s6+s2], $0x200, $0x38;
	[tilespmem:$0x10800] =	vst v63  }
0xa6: {  	_ =	swait.ge [sflag:s21], $0x8000  }
0xa7: {  	[sflag:s21] =	ssyncset.done $0x0  }
0xa8: {  	[sflag:s21] =	ssyncadd.s32 $0xFFFF8000  }
0xa9: {  	_ =	swait.ge [sflag:s30], $0x200  }
0xaa: {  	[sflag:s30] =	ssyncset.done $0x0  }
0xab: {  	[sflag:s30] =	ssyncadd.s32 $0xFFFFFE00  }
0xac: {  	[tilespmem:s31], [sflag:$0x6] =	stream.indirect.gather [hbm4b:s4+s22], $0x40, s24, s22, $0xb8;
	[tilespmem:$0x10800] =	vst v63  }
0xad: {  	s13 =	simm.s32 $0x280  }
0xae: {  	[tilespmem:s1], [sflag:$0x6] =	stream.indirect.gather [hbm4b:s4+s22], $0x40, s13, s22, $0xb8;
	[tilespmem:$0x10800] =	vst v63  }
.Ltmp3:
0xaf: {  	s15 =	simm.s32 $0x300;
	(pc) =	sbr.rel .LBB2_2-.Ltmp3, $4  }
0xb0: {  	s19 =	simm.s32 $0x380;
	s5 =	sadd.s32 $0x4000, s5;
	s6 =	sadd.s32 $0x100, s6  }
0xb1: {  	[tilespmem:s28], [sflag:$0x6] =	stream.indirect.gather [hbm4b:s4+s22], $0x40, s15, s22, $0xb8;
	[tilespmem:$0x10800] =	vst v63  }
0xb2: {  	s29 =	sadd.s32 $0x100, s29;
	s25 =	sadd.s32 $0x100, s25;
	s26 =	sadd.s32 $0x800, s26  }
0xb3: {  	[tilespmem:s7], [sflag:$0x6] =	stream.indirect.gather [hbm4b:s4+s22], $0x40, s19, s22, $0xb8;
	[tilespmem:$0x10800] =	vst v63  }
.LBB2_5:
0xb4: {  	_ =	sfence.sel $0x180000  }
0xb5: {  	[bflag:$0x0] =	sbarrier.arrive $0xFFFF  }
0xb6: {  	_ =	strace $0x90000047  }
0xb7: {  	s0 =	stileid.u32;
	[bflag:$0x2] =	sbarrier.arrive $0xFFFF  }
0xb8: {  	p0 =	sne.s32 s0, $0x0;
	s0 =	rddreg [dreg:$0x1]  }
0xb9: {  	s0 =	sadd.s32 @!p0 $0x100000, s0  }
0xba: {  	[sflag:s0] =	ssyncadd.tile.s32 @!p0 $0x1;
	_ =	shalt  }
.Lfunc_end2:
_tile_overlayer_lowered:
.L_overlay_start_2:
0xbb: {  	(tag) =	ssettag $0x2  }
0xbc: {  	s0 =	rddreg [dreg:$0x0];
	s2 =	stileid.u32  }
0xbd: {  	s1 =	rddreg [dreg:$0x1];
	p0 =	sne.s32 s2, $0x0  }
0xbe: {  	s3 =	rddreg [dreg:$0x2];
	[bflag:$0x3] =	sbarrier.arrive $0xFFFF;
	s2 =	simm.s32 @!p0 $0x1C09  }
0xbf: {  	[timem:s3], [sflag:s2] =	dma.local @!p0 [hbm:s0], s1  }
0xc0: {  	s0 =	simm.s32 @!p0 $0x9  }
0xc1: {  	_ =	swait.ge @!p0 [sflag:s0], s1  }
0xc2: {  	s1 =	ssub.s32 @!p0 $0x0, s1;
	[sflag:s0] =	ssyncset.done @!p0 $0x0  }
0xc3: {  	[sflag:s0] =	ssyncadd.s32 @!p0 s1  }
0xc4: {  	[bflag:$0x3] =	sbarrier.arrive $0xFFFF  }
0xc5: {  	_ =	shalt  }

// kernel: sparse-core-data-format-call.cloned.1.call-start
scs
called_computation_lowered:
.L_overlay_start_0:
0x0: {  	s2 =	sld [smem:$0x3FD9]  }
0x1: {  	s3 =	sld [smem:$0x3FFE];
	_ =	sdelay $0x1  }
0x2: {  	s1 =	srdreg.scid  }
0x3: {  	s0 =	sand.u32 $0x1, s1  }
0x4: {  	s18 =	sshll.u32 s0, $0xA;
	s2 =	sadd.s32 s3, s2  }
0x5: {  	s2 =	sadd.s32 s2, s18  }
0x6: {  	[smem:$0x3FC6] =	sst s2  }
0x7: {  	_ = 	snop  }
0x8: {  	s2 =	sld [smem:$0x3FD0];
	(tm) =	ssettm $0x1  }
0x9: {  	s19 =	sld [smem:$0x3FFB];
	_ =	sdelay $0x3  }
0xa: {  	_ =	strace s19  }
0xb: {  	s3 =	sld [smem:$0x3FFC];
	_ =	sdelay $0x3  }
0xc: {  	_ =	strace s3  }
0xd: {  	s3 =	sld [smem:$0x3FFD];
	_ =	sdelay $0x3  }
0xe: {  	_ =	strace s3  }
0xf: {  	_ =	strace $0x8FFFFFFF  }
0x10: {  	s20 =	sld [smem:$0x3FDB];
	_ =	sdelay $0x1  }
0x11: {  	s4 =	simm.s32 $_scs_section_size  }
0x12: {  	s5 =	simm.s32 $_size__tile_overlayer_lowered;
	s6 =	simm.s32 $_tile_overlayer_lowered  }
0x13: {  	s23 =	simm.s32 $0x1BFF;
	s22 =	sshll.u32 s6, $0x1;
	s3 =	sadd.s32 s4, s20  }
0x14: {  	s7 =	simm.s32 $0x0;
	s21 =	sshll.u32 s5, $0x1;
	s5 =	sadd.s32 s22, s3  }
0x15: {  	[timem:s7], [sflag:s23] =	dma.local [hbm:s5], s21  }
0x16: {  	_ =	swait.ge [sflag:s23], s21  }
0x17: {  	s4 =	ssub.s32 $0x0, s21;
	[sflag:s23] =	ssyncset.done $0x0  }
0x18: {  	[sflag:s23] =	ssyncadd.s32 s4;
	_ =	sdelay $0x1  }
0x19: {  	s24 =	simm.s32 $0x1B8B  }
0x1a: {  	_ =	swait.ge [sflag:s24], $0x1  }
0x1b: {  	[sflag:s24] =	ssyncset.done $0x0  }
0x1c: {  	s26 =	simm.s32 $0x1B8E;
	s25 =	sld [smem:$0x3FFE];
	[sflag:s24] =	ssyncadd.s32 $0xFFFFFFFF  }
0x1d: {  	s27 =	simm.s32 $execute0_lowered;
	[smem:$0x3FD2] =	sst s26  }
0x1e: {  	s5 =	sshll.u32 s27, $0x1;
	_ =	strace $0x8000004C;
	[dreg:$0x1] =	wrdreg $0xFFFFFFFF  }
0x1f: {  	s28 =	simm.s32 $_size_execute0_lowered;
	s3 =	sadd.s32 s3, s5;
	[dreg:$0x0] =	wrdreg $0x0  }
0x20: {  	s5 =	sshll.u32 s28, $0x1;
	[dreg:$0x2] =	wrdreg s3  }
0x21: {  	[dreg:$0x3] =	wrdreg s5  }
0x22: {  	[dreg:$0x4] =	wrdreg $0xC0  }
0x23: {  	_ =	task [dreg:s7], $0x5FFFF  }
0x24: {  	[dreg:$0x1] =	wrdreg $0xFFFFFFFF  }
0x25: {  	[dreg:$0x0] =	wrdreg $0x60  }
0x26: {  	[dreg:$0x2] =	wrdreg s25  }
0x27: {  	[dreg:$0x3] =	wrdreg s2  }
0x28: {  	[dreg:$0x4] =	wrdreg $0x9  }
0x29: {  	_ =	task.clear_ibuf [dreg:s7], $0x5FFFF;
	_ =	strace $0x9000004C  }
0x2a: {  	s29 =	simm.s32 $0x9;
	_ =	strace $0x8000004E  }
0x2b: {  	_ =	swait.ge [sflag:s29], $0x1  }
0x2c: {  	[sflag:s29] =	ssyncadd.s32 $0xFFFFFFFF  }
0x2d: {  	_ =	strace $0x9000004E  }
0x2e: {  	_ =	sfence  }
0x2f: {  	s30 =	sld [smem:$0x0];
	_ =	sdelay $0x2  }
0x30: {  	s31 =	sshll.u32 s1, $0xD;
	s1 =	sshrl.u32 s1, $0x2  }
0x31: {  	s3 =	sand.u32 $0x4000, s31;
	s1 =	sadd.s32 s1, s30  }
0x32: {  	s0 =	sor.u32 s3, s0;
	s1 =	sshll.u32 s1, $0x11  }
0x33: {  	s0 =	sor.u32 s1, s0  }
0x34: {  	s0 =	sadd.s32 $0x8F2B, s0  }
0x35: {  	[sflag:s0] =	ssyncadd.remote.s32 $0x1  }
0x36: {  	_ =	sfence.sel $0xFFFF  }
0x37: {  	[dreg:$0x0] =	wrdreg $0xFFFFFFFF;
	(pc) =	sbr.abs _section_cstart, $3  }
0x38: {  	[dreg:$0x1] =	wrdreg $0xFFFFFFFF  }
0x39: {  	_ =	task.clear_ibuf [dreg:s7], $0x2FFFF;
	_ =	strace $0x9FFFFFFF  }
0x3a: {  	(tm) =	ssettm $0x7FFFFFFF  }
0x3b: {  	_ =	shalt  }
tec
execute0_lowered:
.L_overlay_start_1:
0x0: {  	(tag) =	ssettag $0x1  }
0x1: {  	s0 =	srdreg.scid  }
0x2: {  	s1 =	sshll.u32 s0, $0x4  }
0x3: {  	s0 =	stileid.u32;
	s1 =	sand.u32 $0x10, s1  }
0x4: {  	s1 =	sor.u32 s0, s1  }
0x5: {  	s6 =	rddreg [dreg:$0x0];
	s4 =	simm.s32 $0x1;
	s2 =	sshll.u32 s1, $0x7  }
0x6: {  	s7 =	simm.s32 $0x2;
	s12 =	simm.s32 $0x0;
	s1 =	ssub.s32 $0x4000, s2  }
0x7: {  	s8 =	simm.s32 $0x20000;
	s13 =	simm.s32 $0x0;
	s3 =	sand.u32 $0xF80, s1  }
0x8: {  	s9 =	simm.s32 $0x0;
	s5 =	sshrl.u32 s1, $0xC;
	p0 =	sne.s32 s3, $0x0  }
.Ltmp0:
0x9: {  	s1 =	rddreg [dreg:$0x2];
	s4 =	simm.s32 @!p0 $0x0;
	(pc) =	sbr.rel .LBB1_1-.Ltmp0, $4  }
0xa: {  	s11 =	simm.s32 $0x0;
	s3 =	rddreg [dreg:$0x1];
	s5 =	sadd.s32 s4, s5  }
0xb: {  	_ =	strace $0x8000004D;
	s4 =	simm.s32 $0x1;
	s5 =	smul.u32 $0xC8, s5  }
0xc: {  	s6 =	sadd.s32 $0x3A06200, s6;
	s10 =	smov.u32 s2;
	[sflag:s4] =	ssyncpa.u1 $0x0  }
0xd: {  	p0 =	por $0x0, $0x0;
	[sflag:s7] =	ssyncpa.u1 $0x0;
	s7 =	sor.u32 $0x1, s5  }
.LBB1_4:
0xe: {  	s16 =	sshll.u32 s13, $0x3;
	s17 =	sand.u32 $0x78, s13  }
0xf: {  	s30 =	sand.u32 $0x1F800, s13;
	s12 =	sshll.u32 s12, $0x11;
	s16 =	sand.u32 $0x3C00, s16  }
0x10: {  	[tilespmem:s15+$0x810 ss:$0x81] =	vst.msk $0xffff, v2;
	s31 =	sand.u32 $0x7, s13;
	s16 =	sor.u32 s17, s16;
	s17 =	sadd.s32 s3, s30  }
0x11: {  	[tilespmem:s15+$0x1020 ss:$0x81] =	vst.msk $0xffff, v0;
	s13 =	sshll.u32 s31, $0x12;
	s12 =	sadd.s32 s12, s17;
	s16 =	sshrl.u32 s16, $0x3  }
0x12: {  	[tilespmem:s15+$0x0 ss:$0x81] =	vst.msk $0xffff, v1;
	s13 =	sor.u32 $0x400, s13;
	s12 =	sadd.s32 s16, s12  }
0x13: {  	[hbm4b:s12+s13] =	stream.strided.scatter [tilespmem:s14], [sflag:$0x2], $0x2000, s8, s13, $0x20;
	[tilespmem:$0x8080] =	vst v63  }
.LBB1_5:
0x14: {  	s14 =	sadd.s32 $0x1, s9  }
0x15: {  	s12 =	sadd.s32 $0x1000, s10;
	s16 =	smov.u32 s10;
	p2 =	sgt.s32 s14, $0xC7  }
0x16: {  	s16 =	smov.u32 @p2 s12  }
0x17: {  	s14 =	simm.s32 @p2 $0x0;
	p2 =	sgt.s32 s16, $0x3FFF  }
0x18: {  	s16 =	smov.u32 @p2 s2;
	p2 =	sne.s32 s11, s7  }
.Ltmp1:
0x19: {  	p1 =	slt.u32 s11, $0x2;
	(pc) =	sbr.rel @!p2 .LBB1_6-.Ltmp1, $4  }
0x1a: {  	s15 =	simm.s32 @!p1 $0x2  }
0x1b: {  	s13 =	smov.u32 s10;
	p0 =	por !p0, !p0;
	_ =	swait.ge @!p1 [sflag:s15], $0x2000  }
0x1c: {  	s12 =	smov.u32 s9;
	[sflag:s15] =	ssyncset.done @!p1 $0x0;
	s9 =	smov.u32 s14  }
0x1d: {  	s11 =	sadd.s32 $0x1, s11;
	[sflag:s15] =	ssyncadd.s32 @!p1 $0xFFFFE000;
	s10 =	smov.u32 s16  }
.LBB1_1:
0x1e: {  	p1 =	sge.u32 s11, s5  }
0x1f: {  	s14 =	sand.u32 @!p1 $0x1FFFFFF, s9  }
0x20: {  	s15 =	smulhi.u32 @!p1 $0x147AE15, s14;
	_ =	sdelay $0x1  }
0x21: {  	s15 =	smul.u32 @!p1 $0xC8, s15  }
0x22: {  	s16 =	sxor.u32 @!p1 $0xFFFFFFFF, s11;
	s17 =	smul.u32 @!p1 $0xC80, s10  }
0x23: {  	s31 =	sadd.s32 $0xFFFFFFFF, s11;
	s16 =	sshll.u32 @!p1 s16, $0xD;
	s14 =	ssub.s32 @!p1 s14, s15  }
0x24: {  	s15 =	sand.u32 @!p1 $0x2000, s16;
	s16 =	sadd.s32 @!p1 s6, s17;
	s14 =	sshll.u32 @!p1 s14, $0x4  }
0x25: {  	s17 =	simm.s32 @!p1 $0x6400;
	s14 =	sadd.s32 @!p1 s14, s16;
	s16 =	simm.s32 @!p1 $0x40  }
0x26: {  	[tilespmem:s15], [sflag:$0x1] =	stream.strided.gather @!p1 [hbm4b:s14+s16], $0x2000, s17, s16, $0x38;
	[tilespmem:$0x8080] =	vst v63  }
0x27: {  	p1 =	sge.u32 s31, s5  }
.Ltmp2:
0x28: {  	_ = 	snop;
	(pc) =	sbr.rel @p1 .LBB1_5-.Ltmp2, $1  }
0x29: {  	_ =	sdelay $0x3  }
0x2a: {  	s14 =	simm.s32 $0x1  }
0x2b: {  	_ =	swait.ge [sflag:s4], $0x2000;
	s14 =	simm.s32 @!p0 $0x0  }
0x2c: {  	[sflag:s4] =	ssyncset.done $0x0;
	s15 =	sshll.u32 s14, $0xD  }
0x2d: {  	[sflag:s4] =	ssyncadd.s32 $0xFFFFE000;
	s18 =	sor.u32 $0x20, s15  }
0x2e: {  	s14 =	smul.u32 $0x8100, s14;
	v3 =	vld [tilespmem:s18+$0x10]  }
0x2f: {  	s30 =	sand.u32 $0x1, s11;
	v2 =	vld [tilespmem:s18+$0xFFFFFFF0]  }
0x30: {  	s15 =	smul.u32 $0x8100, s30;
	s14 =	sshrl.u32 s14, $0x2;
	v0 =	vld [tilespmem:s18+$0x0]  }
0x31: {  	v1 =	vld [tilespmem:s18+$0xFFFFFFE0];
	s16 =	sor.u32 $0x4000, s14  }
0x32: {  	s31 =	sshrl.u32 s15, $0x2;
	s15 =	sadd.s32 $0x0, s16  }
0x33: {  	s17 =	simm.s32 $0x4;
	s18 =	sadd.s32 $0x40, s18;
	s14 =	sor.u32 $0x4000, s31;
	[tilespmem:s15+$0x1830 ss:$0x81] =	vst.msk $0xffff, v3  }
.LBB1_3:
0x34: {  	v3 =	vld [tilespmem:s18+$0x10];
	p1 =	sne.s32 s17, $0x1FC;
	[tilespmem:s15+$0x810 ss:$0x81] =	vst.msk $0xffff, v2;
	s19 =	smov.u32 s17;
	s17 =	sadd.s32 $0x4, s17  }
.Ltmp3:
0x35: {  	v2 =	vld [tilespmem:s18+$0xFFFFFFF0];
	[tilespmem:s15+$0x1020 ss:$0x81] =	vst.msk $0xffff, v0;
	(pc) =	sbr.rel @p1 .LBB1_3-.Ltmp3, $4  }
0x36: {  	v0 =	vld [tilespmem:s18+$0x0];
	[tilespmem:s15+$0x0 ss:$0x81] =	vst.msk $0xffff, v1  }
0x37: {  	s15 =	sshra.s32 s19, $0x2;
	v1 =	vld [tilespmem:s18+$0xFFFFFFE0]  }
0x38: {  	s15 =	sadd.s32 s15, s16  }
0x39: {  	s18 =	sadd.s32 $0x40, s18;
	[tilespmem:s15+$0x1830 ss:$0x81] =	vst.msk $0xffff, v3  }
.Ltmp4:
0x3a: {  	_ = 	snop;
	(pc) =	sbr.rel .LBB1_4-.Ltmp4, $1  }
0x3b: {  	_ =	sdelay $0x3  }
.LBB1_6:
0x3c: {  	_ =	sfence.sel $0x180000  }
0x3d: {  	s2 =	simm.s32 $0x1;
	[bflag:$0x0] =	sbarrier.arrive $0xFFFF  }
0x3e: {  	s31 =	simm.s32 $0x2;
	[sflag:s2] =	ssyncpa.u1 $0x1  }
0x3f: {  	[sflag:s31] =	ssyncpa.u1 $0x1  }
0x40: {  	p0 =	sne.s32 s0, $0x0;
	_ =	strace $0x9000004D  }
0x41: {  	s0 =	sadd.s32 @!p0 $0x100000, s1;
	[bflag:$0x2] =	sbarrier.arrive $0xFFFF  }
0x42: {  	[sflag:s0] =	ssyncadd.tile.s32 @!p0 $0x1;
	_ =	shalt  }
.Lfunc_end1:
_tile_overlayer_lowered:
.L_overlay_start_2:
0x43: {  	(tag) =	ssettag $0x2  }
0x44: {  	s0 =	rddreg [dreg:$0x0];
	s2 =	stileid.u32  }
0x45: {  	s1 =	rddreg [dreg:$0x1];
	p0 =	sne.s32 s2, $0x0  }
0x46: {  	s3 =	rddreg [dreg:$0x2];
	[bflag:$0x3] =	sbarrier.arrive $0xFFFF;
	s2 =	simm.s32 @!p0 $0x1C01  }
0x47: {  	[timem:s3], [sflag:s2] =	dma.local @!p0 [hbm:s0], s1  }
0x48: {  	s0 =	simm.s32 @!p0 $0x1  }
0x49: {  	_ =	swait.ge @!p0 [sflag:s0], s1  }
0x4a: {  	s1 =	ssub.s32 @!p0 $0x0, s1;
	[sflag:s0] =	ssyncset.done @!p0 $0x0  }
0x4b: {  	[sflag:s0] =	ssyncadd.s32 @!p0 s1  }
0x4c: {  	[bflag:$0x3] =	sbarrier.arrive $0xFFFF  }
0x4d: {  	_ =	shalt  }

</sc_bundles>
